<compile_context>
chip_gen: v7x
topology: tpu7x:2x2x1
jax: 0.10.2.dev20260603
libtpu: 0.0.44.dev20260713+nightly
codegen_flags: <defaults>
</compile_context>

<pallas_src>
import functools

import jax
import jax.numpy as jnp
from jax import lax
from jax.experimental import pallas as pl
from jax.experimental.pallas import tpu as pltpu
from jax.experimental.pallas import tpu_sc as plsc

D = 32
NBLK = 1954
WR = NBLK * 128


def _repack(Zt):
    def tk(zt_ref, w_ref):
        for jj in range(4):
            w_ref[:, 32 * jj:32 * jj + 32] = (
                zt_ref[:, 128 * jj:128 * jj + 128].T
            )

    return pl.pallas_call(
        tk,
        grid=(NBLK,),
        in_specs=[pl.BlockSpec((D, 512), lambda b: (0, b))],
        out_specs=pl.BlockSpec((128, 128), lambda b: (b, 0)),
        out_shape=jax.ShapeDtypeStruct((WR, 128), jnp.float32),
    )(Zt)


def kernel(indices, Z):
    B = indices.shape[0]
    info = plsc.get_sparse_core_info()
    NC, NS = info.num_cores, info.num_subcores
    NW = NC * NS
    BW = B // NW

    mesh = plsc.VectorSubcoreMesh(core_axis_name="c", subcore_axis_name="s")
    Zt = Z.T
    W = _repack(Zt)

    @functools.partial(
        pl.kernel,
        mesh=mesh,
        compiler_params=pltpu.CompilerParams(needs_layout_passes=False),
        out_type=jax.ShapeDtypeStruct((D, B), jnp.float32),
        scratch_types=[
            pltpu.VMEM((BW,), jnp.int32),
            pltpu.VMEM((4, 128), jnp.int32),
            pltpu.VMEM((BW, 128), jnp.float32),
            pltpu.VMEM((D, BW), jnp.float32),
            pltpu.SemaphoreType.DMA,
        ],
    )
    def gather_kernel(idx_hbm, w_hbm, out_hbm, idx_v, kidx, rows, stg, sem):
        wid = lax.axis_index("s") * NC + lax.axis_index("c")
        base = pl.multiple_of(wid * BW, 128)
        pltpu.sync_copy(idx_hbm.at[pl.ds(base, BW)], idx_v)
        row0 = lax.broadcasted_iota(jnp.int32, (16,), 0)
        row1 = row0 + 16

        for t in range(0, BW, 16):
            iv = idx_v[pl.ds(t, 16)]
            kidx[t // 128, pl.ds(t % 128, 16)] = ((iv >> 9) << 7) | (iv & 127)

        copies = [
            pltpu.async_copy(
                w_hbm.at[kidx.at[j]], rows.at[pl.ds(128 * j, 128)], sem
            )
            for j in range(4)
        ]
        for c in copies:
            c.wait()

        @pl.loop(0, BW, step=16)
        def _extract(t):
            iv = idx_v[pl.ds(t, 16)]
            for s in range(16):
                i0 = iv[s]
                q = pl.multiple_of(((i0 >> 7) & 3) << 5, 32)
                r = rows.at[t + s]
                v0 = r[pl.ds(q, 16)]
                v1 = r[pl.ds(q + 16, 16)]
                pvec = jnp.broadcast_to(t + s, (16,))
                plsc.store_scatter(stg, [row0, pvec], v0)
                plsc.store_scatter(stg, [row1, pvec], v1)

        pltpu.sync_copy(stg, out_hbm.at[:, pl.ds(base, BW)])

    return gather_kernel(indices, W).T

# --- scband reference (transcript-rebuilt; emitter-appended) ---
"""Pipeline reference for scband-deep-walk-13718125543770 (READ-ONLY COPY).

The authoritative reference and input builder live on the scoring server;
editing this copy changes nothing except your own understanding.
"""

import jax, jax.numpy as jnp
import numpy as np

N = 1000000
D = 32
B = 16384

def setup_inputs(seed: int = 0) -> dict:
    key = jax.random.key(seed)
    k1, k2 = jax.random.split(key)
    indices = jax.random.randint(k1, (B,), 0, N, dtype=jnp.int64 if jax.config.jax_enable_x64 else jnp.int32).astype(jnp.int32)
    # DeepWalk parameter: Z = rand(2N-1, D) / sqrt(2N-1)
    Z = jax.random.uniform(k2, (2 * N - 1, D), dtype=jnp.float32) / np.sqrt(2 * N - 1)
    return {"indices": indices, "Z": Z}

def reference(indices, Z):
    # Embedding lookup into the DeepWalk parameter table (rows 0..N-1 are node
    # embeddings, as in DeepWalk.embedding() which slices Z[:N]).
    return jnp.take(Z, indices, axis=0)

if __name__ == "__main__":
    import jax
    _d = setup_inputs()
    print(jax.jit(kernel)(*tuple(_d.values())))

</pallas_src>

<mosaic_0001>
#map = affine_map<(d0, d1) -> (0)>
#map1 = affine_map<(d0, d1) -> (0, 0)>
module attributes {stable_mosaic.version = 14 : i64} {
  func.func @gather_kernel(%arg0: i32, %arg1: i32, %arg2: memref<16384xi32, #tpu.memory_space<hbm>>, %arg3: memref<250112x128xf32, #tpu.memory_space<hbm>>, %arg4: memref<32x16384xf32, #tpu.memory_space<hbm>>, %arg5: memref<512xi32, #tpu.memory_space<vmem>>, %arg6: memref<4x128xi32, #tpu.memory_space<vmem>>, %arg7: memref<512x128xf32, #tpu.memory_space<vmem>>, %arg8: memref<32x512xf32, #tpu.memory_space<vmem>>, %arg9: memref<!tpu.dma_semaphore, #tpu.memory_space<semaphore_mem>>) attributes {dimension_semantics = [#tpu.dimension_semantics<core_parallel>, #tpu.dimension_semantics<subcore_parallel>], iteration_bounds = array<i64: 2, 16>, scalar_prefetch = 0 : i64, scratch_operands = 5 : i64, tpu.core_type = #tpu.core_type<sc_vector_subcore>, window_params = [{transform_indices = #map}, {transform_indices = #map1}, {transform_indices = #map1}]} {
    %mul3A = arith.constant 2 : i32
    %mul3A_0 = arith.muli %arg1, %mul3A : i32
    %add3A = arith.addi %mul3A_0, %arg0 : i32
    %mul3A_1 = arith.constant 512 : i32
    %mul3A_2 = arith.muli %add3A, %mul3A_1 : i32
    %multiple_of3A = tpu.assume_multiple %mul3A_2, 128 : i32
    "tpu.region"() ({
      %run_scoped3A = tpu.sem_alloc : memref<!tpu.dma_semaphore, #tpu.memory_space<semaphore_mem>>
      %dma_start3A_594 = tpu.memref_slice %arg2[%multiple_of3A] : memref<16384xi32, #tpu.memory_space<hbm>> -> memref<512xi32, #tpu.memory_space<hbm>>
      %dma_start3A_595 = tpu.memref_slice %arg2[%multiple_of3A] : memref<16384xi32, #tpu.memory_space<hbm>> -> memref<512xi32, #tpu.memory_space<hbm>>
      tpu.enqueue_dma source(%dma_start3A_595 : memref<512xi32, #tpu.memory_space<hbm>>) target(%arg5 : memref<512xi32, #tpu.memory_space<vmem>>) target_semaphore(%run_scoped3A : memref<!tpu.dma_semaphore, #tpu.memory_space<semaphore_mem>>)
      %dma_wait3A_596 = tpu.memref_slice %arg2[%multiple_of3A] : memref<16384xi32, #tpu.memory_space<hbm>> -> memref<512xi32, #tpu.memory_space<hbm>>
      %dma_wait3A_597 = tpu.memref_slice %arg2[%multiple_of3A] : memref<16384xi32, #tpu.memory_space<hbm>> -> memref<512xi32, #tpu.memory_space<hbm>>
      tpu.wait_dma2 semaphore(%run_scoped3A : memref<!tpu.dma_semaphore, #tpu.memory_space<semaphore_mem>>) src(%dma_wait3A_597 : memref<512xi32, #tpu.memory_space<hbm>>) dst(%arg5 : memref<512xi32, #tpu.memory_space<vmem>>)
      tpu.yield
    }) : () -> ()
    %iota3A = tpu.iota {dimensions = array<i32: 0>} : vector<16xi32>
    %add3A_3 = arith.constant 16 : i32
    %add3A_4 = vector.broadcast %add3A_3 : i32 to vector<16xi32>
    %add3A_5 = arith.addi %iota3A, %add3A_4 : vector<16xi32>
    %get3A = arith.constant 0 : index
    %get3A_6 = tpu.vector_load %arg5[%get3A] {strides = array<i32>} : memref<512xi32, #tpu.memory_space<vmem>>, vector<16xi32>,
    %shift_right_arithmetic3A = arith.constant 9 : i32
    %shift_right_arithmetic3A_7 = vector.broadcast %shift_right_arithmetic3A : i32 to vector<16xi32>
    %shift_right_arithmetic3A_8 = arith.shrsi %get3A_6, %shift_right_arithmetic3A_7 : vector<16xi32>
    %shift_left3A = arith.constant 7 : i32
    %shift_left3A_9 = vector.broadcast %shift_left3A : i32 to vector<16xi32>
    %shift_left3A_10 = arith.shli %shift_right_arithmetic3A_8, %shift_left3A_9 : vector<16xi32>
    %and3A = arith.constant 127 : i32
    %and3A_11 = vector.broadcast %and3A : i32 to vector<16xi32>
    %and3A_12 = arith.andi %get3A_6, %and3A_11 : vector<16xi32>
    %or3A = arith.ori %shift_left3A_10, %and3A_12 : vector<16xi32>
    %swap3A = arith.constant 0 : i32
    %swap3A_13 = arith.index_cast %swap3A : i32 to index
    %swap3A_14 = arith.constant 0 : index
    %swap3A_15 = tpu.vector_load %arg6[%swap3A_13, %swap3A_14] {strides = array<i32>} : memref<4x128xi32, #tpu.memory_space<vmem>>, vector<16xi32>,
    tpu.vector_store %arg6[%swap3A_13, %swap3A_14], %or3A {strides = array<i32>} : memref<4x128xi32, #tpu.memory_space<vmem>>, vector<16xi32>,
    %get3A_16 = arith.constant 16 : index
    %get3A_17 = tpu.vector_load %arg5[%get3A_16] {strides = array<i32>} : memref<512xi32, #tpu.memory_space<vmem>>, vector<16xi32>,
    %shift_right_arithmetic3A_18 = arith.constant 9 : i32
    %shift_right_arithmetic3A_19 = vector.broadcast %shift_right_arithmetic3A_18 : i32 to vector<16xi32>
    %shift_right_arithmetic3A_20 = arith.shrsi %get3A_17, %shift_right_arithmetic3A_19 : vector<16xi32>
    %shift_left3A_21 = arith.constant 7 : i32
    %shift_left3A_22 = vector.broadcast %shift_left3A_21 : i32 to vector<16xi32>
    %shift_left3A_23 = arith.shli %shift_right_arithmetic3A_20, %shift_left3A_22 : vector<16xi32>
    %and3A_24 = arith.constant 127 : i32
    %and3A_25 = vector.broadcast %and3A_24 : i32 to vector<16xi32>
    %and3A_26 = arith.andi %get3A_17, %and3A_25 : vector<16xi32>
    %or3A_27 = arith.ori %shift_left3A_23, %and3A_26 : vector<16xi32>
    %swap3A_28 = arith.constant 0 : i32
    %swap3A_29 = arith.index_cast %swap3A_28 : i32 to index
    %swap3A_30 = arith.constant 16 : index
    %swap3A_31 = tpu.vector_load %arg6[%swap3A_29, %swap3A_30] {strides = array<i32>} : memref<4x128xi32, #tpu.memory_space<vmem>>, vector<16xi32>,
    tpu.vector_store %arg6[%swap3A_29, %swap3A_30], %or3A_27 {strides = array<i32>} : memref<4x128xi32, #tpu.memory_space<vmem>>, vector<16xi32>,
    %get3A_32 = arith.constant 32 : index
    %get3A_33 = tpu.vector_load %arg5[%get3A_32] {strides = array<i32>} : memref<512xi32, #tpu.memory_space<vmem>>, vector<16xi32>,
    %shift_right_arithmetic3A_34 = arith.constant 9 : i32
    %shift_right_arithmetic3A_35 = vector.broadcast %shift_right_arithmetic3A_34 : i32 to vector<16xi32>
    %shift_right_arithmetic3A_36 = arith.shrsi %get3A_33, %shift_right_arithmetic3A_35 : vector<16xi32>
    %shift_left3A_37 = arith.constant 7 : i32
    %shift_left3A_38 = vector.broadcast %shift_left3A_37 : i32 to vector<16xi32>
    %shift_left3A_39 = arith.shli %shift_right_arithmetic3A_36, %shift_left3A_38 : vector<16xi32>
    %and3A_40 = arith.constant 127 : i32
    %and3A_41 = vector.broadcast %and3A_40 : i32 to vector<16xi32>
    %and3A_42 = arith.andi %get3A_33, %and3A_41 : vector<16xi32>
    %or3A_43 = arith.ori %shift_left3A_39, %and3A_42 : vector<16xi32>
    %swap3A_44 = arith.constant 0 : i32
    %swap3A_45 = arith.index_cast %swap3A_44 : i32 to index
    %swap3A_46 = arith.constant 32 : index
    %swap3A_47 = tpu.vector_load %arg6[%swap3A_45, %swap3A_46] {strides = array<i32>} : memref<4x128xi32, #tpu.memory_space<vmem>>, vector<16xi32>,
    tpu.vector_store %arg6[%swap3A_45, %swap3A_46], %or3A_43 {strides = array<i32>} : memref<4x128xi32, #tpu.memory_space<vmem>>, vector<16xi32>,
    %get3A_48 = arith.constant 48 : index
    %get3A_49 = tpu.vector_load %arg5[%get3A_48] {strides = array<i32>} : memref<512xi32, #tpu.memory_space<vmem>>, vector<16xi32>,
    %shift_right_arithmetic3A_50 = arith.constant 9 : i32
    %shift_right_arithmetic3A_51 = vector.broadcast %shift_right_arithmetic3A_50 : i32 to vector<16xi32>
    %shift_right_arithmetic3A_52 = arith.shrsi %get3A_49, %shift_right_arithmetic3A_51 : vector<16xi32>
    %shift_left3A_53 = arith.constant 7 : i32
    %shift_left3A_54 = vector.broadcast %shift_left3A_53 : i32 to vector<16xi32>
    %shift_left3A_55 = arith.shli %shift_right_arithmetic3A_52, %shift_left3A_54 : vector<16xi32>
    %and3A_56 = arith.constant 127 : i32
    %and3A_57 = vector.broadcast %and3A_56 : i32 to vector<16xi32>
    %and3A_58 = arith.andi %get3A_49, %and3A_57 : vector<16xi32>
    %or3A_59 = arith.ori %shift_left3A_55, %and3A_58 : vector<16xi32>
    %swap3A_60 = arith.constant 0 : i32
    %swap3A_61 = arith.index_cast %swap3A_60 : i32 to index
    %swap3A_62 = arith.constant 48 : index
    %swap3A_63 = tpu.vector_load %arg6[%swap3A_61, %swap3A_62] {strides = array<i32>} : memref<4x128xi32, #tpu.memory_space<vmem>>, vector<16xi32>,
    tpu.vector_store %arg6[%swap3A_61, %swap3A_62], %or3A_59 {strides = array<i32>} : memref<4x128xi32, #tpu.memory_space<vmem>>, vector<16xi32>,
    %get3A_64 = arith.constant 64 : index
    %get3A_65 = tpu.vector_load %arg5[%get3A_64] {strides = array<i32>} : memref<512xi32, #tpu.memory_space<vmem>>, vector<16xi32>,
    %shift_right_arithmetic3A_66 = arith.constant 9 : i32
    %shift_right_arithmetic3A_67 = vector.broadcast %shift_right_arithmetic3A_66 : i32 to vector<16xi32>
    %shift_right_arithmetic3A_68 = arith.shrsi %get3A_65, %shift_right_arithmetic3A_67 : vector<16xi32>
    %shift_left3A_69 = arith.constant 7 : i32
    %shift_left3A_70 = vector.broadcast %shift_left3A_69 : i32 to vector<16xi32>
    %shift_left3A_71 = arith.shli %shift_right_arithmetic3A_68, %shift_left3A_70 : vector<16xi32>
    %and3A_72 = arith.constant 127 : i32
    %and3A_73 = vector.broadcast %and3A_72 : i32 to vector<16xi32>
    %and3A_74 = arith.andi %get3A_65, %and3A_73 : vector<16xi32>
    %or3A_75 = arith.ori %shift_left3A_71, %and3A_74 : vector<16xi32>
    %swap3A_76 = arith.constant 0 : i32
    %swap3A_77 = arith.index_cast %swap3A_76 : i32 to index
    %swap3A_78 = arith.constant 64 : index
    %swap3A_79 = tpu.vector_load %arg6[%swap3A_77, %swap3A_78] {strides = array<i32>} : memref<4x128xi32, #tpu.memory_space<vmem>>, vector<16xi32>,
    tpu.vector_store %arg6[%swap3A_77, %swap3A_78], %or3A_75 {strides = array<i32>} : memref<4x128xi32, #tpu.memory_space<vmem>>, vector<16xi32>,
    %get3A_80 = arith.constant 80 : index
    %get3A_81 = tpu.vector_load %arg5[%get3A_80] {strides = array<i32>} : memref<512xi32, #tpu.memory_space<vmem>>, vector<16xi32>,
    %shift_right_arithmetic3A_82 = arith.constant 9 : i32
    %shift_right_arithmetic3A_83 = vector.broadcast %shift_right_arithmetic3A_82 : i32 to vector<16xi32>
    %shift_right_arithmetic3A_84 = arith.shrsi %get3A_81, %shift_right_arithmetic3A_83 : vector<16xi32>
    %shift_left3A_85 = arith.constant 7 : i32
    %shift_left3A_86 = vector.broadcast %shift_left3A_85 : i32 to vector<16xi32>
    %shift_left3A_87 = arith.shli %shift_right_arithmetic3A_84, %shift_left3A_86 : vector<16xi32>
    %and3A_88 = arith.constant 127 : i32
    %and3A_89 = vector.broadcast %and3A_88 : i32 to vector<16xi32>
    %and3A_90 = arith.andi %get3A_81, %and3A_89 : vector<16xi32>
    %or3A_91 = arith.ori %shift_left3A_87, %and3A_90 : vector<16xi32>
    %swap3A_92 = arith.constant 0 : i32
    %swap3A_93 = arith.index_cast %swap3A_92 : i32 to index
    %swap3A_94 = arith.constant 80 : index
    %swap3A_95 = tpu.vector_load %arg6[%swap3A_93, %swap3A_94] {strides = array<i32>} : memref<4x128xi32, #tpu.memory_space<vmem>>, vector<16xi32>,
    tpu.vector_store %arg6[%swap3A_93, %swap3A_94], %or3A_91 {strides = array<i32>} : memref<4x128xi32, #tpu.memory_space<vmem>>, vector<16xi32>,
    %get3A_96 = arith.constant 96 : index
    %get3A_97 = tpu.vector_load %arg5[%get3A_96] {strides = array<i32>} : memref<512xi32, #tpu.memory_space<vmem>>, vector<16xi32>,
    %shift_right_arithmetic3A_98 = arith.constant 9 : i32
    %shift_right_arithmetic3A_99 = vector.broadcast %shift_right_arithmetic3A_98 : i32 to vector<16xi32>
    %shift_right_arithmetic3A_100 = arith.shrsi %get3A_97, %shift_right_arithmetic3A_99 : vector<16xi32>
    %shift_left3A_101 = arith.constant 7 : i32
    %shift_left3A_102 = vector.broadcast %shift_left3A_101 : i32 to vector<16xi32>
    %shift_left3A_103 = arith.shli %shift_right_arithmetic3A_100, %shift_left3A_102 : vector<16xi32>
    %and3A_104 = arith.constant 127 : i32
    %and3A_105 = vector.broadcast %and3A_104 : i32 to vector<16xi32>
    %and3A_106 = arith.andi %get3A_97, %and3A_105 : vector<16xi32>
    %or3A_107 = arith.ori %shift_left3A_103, %and3A_106 : vector<16xi32>
    %swap3A_108 = arith.constant 0 : i32
    %swap3A_109 = arith.index_cast %swap3A_108 : i32 to index
    %swap3A_110 = arith.constant 96 : index
    %swap3A_111 = tpu.vector_load %arg6[%swap3A_109, %swap3A_110] {strides = array<i32>} : memref<4x128xi32, #tpu.memory_space<vmem>>, vector<16xi32>,
    tpu.vector_store %arg6[%swap3A_109, %swap3A_110], %or3A_107 {strides = array<i32>} : memref<4x128xi32, #tpu.memory_space<vmem>>, vector<16xi32>,
    %get3A_112 = arith.constant 112 : index
    %get3A_113 = tpu.vector_load %arg5[%get3A_112] {strides = array<i32>} : memref<512xi32, #tpu.memory_space<vmem>>, vector<16xi32>,
    %shift_right_arithmetic3A_114 = arith.constant 9 : i32
    %shift_right_arithmetic3A_115 = vector.broadcast %shift_right_arithmetic3A_114 : i32 to vector<16xi32>
    %shift_right_arithmetic3A_116 = arith.shrsi %get3A_113, %shift_right_arithmetic3A_115 : vector<16xi32>
    %shift_left3A_117 = arith.constant 7 : i32
    %shift_left3A_118 = vector.broadcast %shift_left3A_117 : i32 to vector<16xi32>
    %shift_left3A_119 = arith.shli %shift_right_arithmetic3A_116, %shift_left3A_118 : vector<16xi32>
    %and3A_120 = arith.constant 127 : i32
    %and3A_121 = vector.broadcast %and3A_120 : i32 to vector<16xi32>
    %and3A_122 = arith.andi %get3A_113, %and3A_121 : vector<16xi32>
    %or3A_123 = arith.ori %shift_left3A_119, %and3A_122 : vector<16xi32>
    %swap3A_124 = arith.constant 0 : i32
    %swap3A_125 = arith.index_cast %swap3A_124 : i32 to index
    %swap3A_126 = arith.constant 112 : index
    %swap3A_127 = tpu.vector_load %arg6[%swap3A_125, %swap3A_126] {strides = array<i32>} : memref<4x128xi32, #tpu.memory_space<vmem>>, vector<16xi32>,
    tpu.vector_store %arg6[%swap3A_125, %swap3A_126], %or3A_123 {strides = array<i32>} : memref<4x128xi32, #tpu.memory_space<vmem>>, vector<16xi32>,
    %get3A_128 = arith.constant 128 : index
    %get3A_129 = tpu.vector_load %arg5[%get3A_128] {strides = array<i32>} : memref<512xi32, #tpu.memory_space<vmem>>, vector<16xi32>,
    %shift_right_arithmetic3A_130 = arith.constant 9 : i32
    %shift_right_arithmetic3A_131 = vector.broadcast %shift_right_arithmetic3A_130 : i32 to vector<16xi32>
    %shift_right_arithmetic3A_132 = arith.shrsi %get3A_129, %shift_right_arithmetic3A_131 : vector<16xi32>
    %shift_left3A_133 = arith.constant 7 : i32
    %shift_left3A_134 = vector.broadcast %shift_left3A_133 : i32 to vector<16xi32>
    %shift_left3A_135 = arith.shli %shift_right_arithmetic3A_132, %shift_left3A_134 : vector<16xi32>
    %and3A_136 = arith.constant 127 : i32
    %and3A_137 = vector.broadcast %and3A_136 : i32 to vector<16xi32>
    %and3A_138 = arith.andi %get3A_129, %and3A_137 : vector<16xi32>
    %or3A_139 = arith.ori %shift_left3A_135, %and3A_138 : vector<16xi32>
    %swap3A_140 = arith.constant 1 : i32
    %swap3A_141 = arith.index_cast %swap3A_140 : i32 to index
    %swap3A_142 = arith.constant 0 : index
    %swap3A_143 = tpu.vector_load %arg6[%swap3A_141, %swap3A_142] {strides = array<i32>} : memref<4x128xi32, #tpu.memory_space<vmem>>, vector<16xi32>,
    tpu.vector_store %arg6[%swap3A_141, %swap3A_142], %or3A_139 {strides = array<i32>} : memref<4x128xi32, #tpu.memory_space<vmem>>, vector<16xi32>,
    %get3A_144 = arith.constant 144 : index
    %get3A_145 = tpu.vector_load %arg5[%get3A_144] {strides = array<i32>} : memref<512xi32, #tpu.memory_space<vmem>>, vector<16xi32>,
    %shift_right_arithmetic3A_146 = arith.constant 9 : i32
    %shift_right_arithmetic3A_147 = vector.broadcast %shift_right_arithmetic3A_146 : i32 to vector<16xi32>
    %shift_right_arithmetic3A_148 = arith.shrsi %get3A_145, %shift_right_arithmetic3A_147 : vector<16xi32>
    %shift_left3A_149 = arith.constant 7 : i32
    %shift_left3A_150 = vector.broadcast %shift_left3A_149 : i32 to vector<16xi32>
    %shift_left3A_151 = arith.shli %shift_right_arithmetic3A_148, %shift_left3A_150 : vector<16xi32>
    %and3A_152 = arith.constant 127 : i32
    %and3A_153 = vector.broadcast %and3A_152 : i32 to vector<16xi32>
    %and3A_154 = arith.andi %get3A_145, %and3A_153 : vector<16xi32>
    %or3A_155 = arith.ori %shift_left3A_151, %and3A_154 : vector<16xi32>
    %swap3A_156 = arith.constant 1 : i32
    %swap3A_157 = arith.index_cast %swap3A_156 : i32 to index
    %swap3A_158 = arith.constant 16 : index
    %swap3A_159 = tpu.vector_load %arg6[%swap3A_157, %swap3A_158] {strides = array<i32>} : memref<4x128xi32, #tpu.memory_space<vmem>>, vector<16xi32>,
    tpu.vector_store %arg6[%swap3A_157, %swap3A_158], %or3A_155 {strides = array<i32>} : memref<4x128xi32, #tpu.memory_space<vmem>>, vector<16xi32>,
    %get3A_160 = arith.constant 160 : index
    %get3A_161 = tpu.vector_load %arg5[%get3A_160] {strides = array<i32>} : memref<512xi32, #tpu.memory_space<vmem>>, vector<16xi32>,
    %shift_right_arithmetic3A_162 = arith.constant 9 : i32
    %shift_right_arithmetic3A_163 = vector.broadcast %shift_right_arithmetic3A_162 : i32 to vector<16xi32>
    %shift_right_arithmetic3A_164 = arith.shrsi %get3A_161, %shift_right_arithmetic3A_163 : vector<16xi32>
    %shift_left3A_165 = arith.constant 7 : i32
    %shift_left3A_166 = vector.broadcast %shift_left3A_165 : i32 to vector<16xi32>
    %shift_left3A_167 = arith.shli %shift_right_arithmetic3A_164, %shift_left3A_166 : vector<16xi32>
    %and3A_168 = arith.constant 127 : i32
    %and3A_169 = vector.broadcast %and3A_168 : i32 to vector<16xi32>
    %and3A_170 = arith.andi %get3A_161, %and3A_169 : vector<16xi32>
    %or3A_171 = arith.ori %shift_left3A_167, %and3A_170 : vector<16xi32>
    %swap3A_172 = arith.constant 1 : i32
    %swap3A_173 = arith.index_cast %swap3A_172 : i32 to index
    %swap3A_174 = arith.constant 32 : index
    %swap3A_175 = tpu.vector_load %arg6[%swap3A_173, %swap3A_174] {strides = array<i32>} : memref<4x128xi32, #tpu.memory_space<vmem>>, vector<16xi32>,
    tpu.vector_store %arg6[%swap3A_173, %swap3A_174], %or3A_171 {strides = array<i32>} : memref<4x128xi32, #tpu.memory_space<vmem>>, vector<16xi32>,
    %get3A_176 = arith.constant 176 : index
    %get3A_177 = tpu.vector_load %arg5[%get3A_176] {strides = array<i32>} : memref<512xi32, #tpu.memory_space<vmem>>, vector<16xi32>,
    %shift_right_arithmetic3A_178 = arith.constant 9 : i32
    %shift_right_arithmetic3A_179 = vector.broadcast %shift_right_arithmetic3A_178 : i32 to vector<16xi32>
    %shift_right_arithmetic3A_180 = arith.shrsi %get3A_177, %shift_right_arithmetic3A_179 : vector<16xi32>
    %shift_left3A_181 = arith.constant 7 : i32
    %shift_left3A_182 = vector.broadcast %shift_left3A_181 : i32 to vector<16xi32>
    %shift_left3A_183 = arith.shli %shift_right_arithmetic3A_180, %shift_left3A_182 : vector<16xi32>
    %and3A_184 = arith.constant 127 : i32
    %and3A_185 = vector.broadcast %and3A_184 : i32 to vector<16xi32>
    %and3A_186 = arith.andi %get3A_177, %and3A_185 : vector<16xi32>
    %or3A_187 = arith.ori %shift_left3A_183, %and3A_186 : vector<16xi32>
    %swap3A_188 = arith.constant 1 : i32
    %swap3A_189 = arith.index_cast %swap3A_188 : i32 to index
    %swap3A_190 = arith.constant 48 : index
    %swap3A_191 = tpu.vector_load %arg6[%swap3A_189, %swap3A_190] {strides = array<i32>} : memref<4x128xi32, #tpu.memory_space<vmem>>, vector<16xi32>,
    tpu.vector_store %arg6[%swap3A_189, %swap3A_190], %or3A_187 {strides = array<i32>} : memref<4x128xi32, #tpu.memory_space<vmem>>, vector<16xi32>,
    %get3A_192 = arith.constant 192 : index
    %get3A_193 = tpu.vector_load %arg5[%get3A_192] {strides = array<i32>} : memref<512xi32, #tpu.memory_space<vmem>>, vector<16xi32>,
    %shift_right_arithmetic3A_194 = arith.constant 9 : i32
    %shift_right_arithmetic3A_195 = vector.broadcast %shift_right_arithmetic3A_194 : i32 to vector<16xi32>
    %shift_right_arithmetic3A_196 = arith.shrsi %get3A_193, %shift_right_arithmetic3A_195 : vector<16xi32>
    %shift_left3A_197 = arith.constant 7 : i32
    %shift_left3A_198 = vector.broadcast %shift_left3A_197 : i32 to vector<16xi32>
    %shift_left3A_199 = arith.shli %shift_right_arithmetic3A_196, %shift_left3A_198 : vector<16xi32>
    %and3A_200 = arith.constant 127 : i32
    %and3A_201 = vector.broadcast %and3A_200 : i32 to vector<16xi32>
    %and3A_202 = arith.andi %get3A_193, %and3A_201 : vector<16xi32>
    %or3A_203 = arith.ori %shift_left3A_199, %and3A_202 : vector<16xi32>
    %swap3A_204 = arith.constant 1 : i32
    %swap3A_205 = arith.index_cast %swap3A_204 : i32 to index
    %swap3A_206 = arith.constant 64 : index
    %swap3A_207 = tpu.vector_load %arg6[%swap3A_205, %swap3A_206] {strides = array<i32>} : memref<4x128xi32, #tpu.memory_space<vmem>>, vector<16xi32>,
    tpu.vector_store %arg6[%swap3A_205, %swap3A_206], %or3A_203 {strides = array<i32>} : memref<4x128xi32, #tpu.memory_space<vmem>>, vector<16xi32>,
    %get3A_208 = arith.constant 208 : index
    %get3A_209 = tpu.vector_load %arg5[%get3A_208] {strides = array<i32>} : memref<512xi32, #tpu.memory_space<vmem>>, vector<16xi32>,
    %shift_right_arithmetic3A_210 = arith.constant 9 : i32
    %shift_right_arithmetic3A_211 = vector.broadcast %shift_right_arithmetic3A_210 : i32 to vector<16xi32>
    %shift_right_arithmetic3A_212 = arith.shrsi %get3A_209, %shift_right_arithmetic3A_211 : vector<16xi32>
    %shift_left3A_213 = arith.constant 7 : i32
    %shift_left3A_214 = vector.broadcast %shift_left3A_213 : i32 to vector<16xi32>
    %shift_left3A_215 = arith.shli %shift_right_arithmetic3A_212, %shift_left3A_214 : vector<16xi32>
    %and3A_216 = arith.constant 127 : i32
    %and3A_217 = vector.broadcast %and3A_216 : i32 to vector<16xi32>
    %and3A_218 = arith.andi %get3A_209, %and3A_217 : vector<16xi32>
    %or3A_219 = arith.ori %shift_left3A_215, %and3A_218 : vector<16xi32>
    %swap3A_220 = arith.constant 1 : i32
    %swap3A_221 = arith.index_cast %swap3A_220 : i32 to index
    %swap3A_222 = arith.constant 80 : index
    %swap3A_223 = tpu.vector_load %arg6[%swap3A_221, %swap3A_222] {strides = array<i32>} : memref<4x128xi32, #tpu.memory_space<vmem>>, vector<16xi32>,
    tpu.vector_store %arg6[%swap3A_221, %swap3A_222], %or3A_219 {strides = array<i32>} : memref<4x128xi32, #tpu.memory_space<vmem>>, vector<16xi32>,
    %get3A_224 = arith.constant 224 : index
    %get3A_225 = tpu.vector_load %arg5[%get3A_224] {strides = array<i32>} : memref<512xi32, #tpu.memory_space<vmem>>, vector<16xi32>,
    %shift_right_arithmetic3A_226 = arith.constant 9 : i32
    %shift_right_arithmetic3A_227 = vector.broadcast %shift_right_arithmetic3A_226 : i32 to vector<16xi32>
    %shift_right_arithmetic3A_228 = arith.shrsi %get3A_225, %shift_right_arithmetic3A_227 : vector<16xi32>
    %shift_left3A_229 = arith.constant 7 : i32
    %shift_left3A_230 = vector.broadcast %shift_left3A_229 : i32 to vector<16xi32>
    %shift_left3A_231 = arith.shli %shift_right_arithmetic3A_228, %shift_left3A_230 : vector<16xi32>
    %and3A_232 = arith.constant 127 : i32
    %and3A_233 = vector.broadcast %and3A_232 : i32 to vector<16xi32>
    %and3A_234 = arith.andi %get3A_225, %and3A_233 : vector<16xi32>
    %or3A_235 = arith.ori %shift_left3A_231, %and3A_234 : vector<16xi32>
    %swap3A_236 = arith.constant 1 : i32
    %swap3A_237 = arith.index_cast %swap3A_236 : i32 to index
    %swap3A_238 = arith.constant 96 : index
    %swap3A_239 = tpu.vector_load %arg6[%swap3A_237, %swap3A_238] {strides = array<i32>} : memref<4x128xi32, #tpu.memory_space<vmem>>, vector<16xi32>,
    tpu.vector_store %arg6[%swap3A_237, %swap3A_238], %or3A_235 {strides = array<i32>} : memref<4x128xi32, #tpu.memory_space<vmem>>, vector<16xi32>,
    %get3A_240 = arith.constant 240 : index
    %get3A_241 = tpu.vector_load %arg5[%get3A_240] {strides = array<i32>} : memref<512xi32, #tpu.memory_space<vmem>>, vector<16xi32>,
    %shift_right_arithmetic3A_242 = arith.constant 9 : i32
    %shift_right_arithmetic3A_243 = vector.broadcast %shift_right_arithmetic3A_242 : i32 to vector<16xi32>
    %shift_right_arithmetic3A_244 = arith.shrsi %get3A_241, %shift_right_arithmetic3A_243 : vector<16xi32>
    %shift_left3A_245 = arith.constant 7 : i32
    %shift_left3A_246 = vector.broadcast %shift_left3A_245 : i32 to vector<16xi32>
    %shift_left3A_247 = arith.shli %shift_right_arithmetic3A_244, %shift_left3A_246 : vector<16xi32>
    %and3A_248 = arith.constant 127 : i32
    %and3A_249 = vector.broadcast %and3A_248 : i32 to vector<16xi32>
    %and3A_250 = arith.andi %get3A_241, %and3A_249 : vector<16xi32>
    %or3A_251 = arith.ori %shift_left3A_247, %and3A_250 : vector<16xi32>
    %swap3A_252 = arith.constant 1 : i32
    %swap3A_253 = arith.index_cast %swap3A_252 : i32 to index
    %swap3A_254 = arith.constant 112 : index
    %swap3A_255 = tpu.vector_load %arg6[%swap3A_253, %swap3A_254] {strides = array<i32>} : memref<4x128xi32, #tpu.memory_space<vmem>>, vector<16xi32>,
    tpu.vector_store %arg6[%swap3A_253, %swap3A_254], %or3A_251 {strides = array<i32>} : memref<4x128xi32, #tpu.memory_space<vmem>>, vector<16xi32>,
    %get3A_256 = arith.constant 256 : index
    %get3A_257 = tpu.vector_load %arg5[%get3A_256] {strides = array<i32>} : memref<512xi32, #tpu.memory_space<vmem>>, vector<16xi32>,
    %shift_right_arithmetic3A_258 = arith.constant 9 : i32
    %shift_right_arithmetic3A_259 = vector.broadcast %shift_right_arithmetic3A_258 : i32 to vector<16xi32>
    %shift_right_arithmetic3A_260 = arith.shrsi %get3A_257, %shift_right_arithmetic3A_259 : vector<16xi32>
    %shift_left3A_261 = arith.constant 7 : i32
    %shift_left3A_262 = vector.broadcast %shift_left3A_261 : i32 to vector<16xi32>
    %shift_left3A_263 = arith.shli %shift_right_arithmetic3A_260, %shift_left3A_262 : vector<16xi32>
    %and3A_264 = arith.constant 127 : i32
    %and3A_265 = vector.broadcast %and3A_264 : i32 to vector<16xi32>
    %and3A_266 = arith.andi %get3A_257, %and3A_265 : vector<16xi32>
    %or3A_267 = arith.ori %shift_left3A_263, %and3A_266 : vector<16xi32>
    %swap3A_268 = arith.constant 2 : i32
    %swap3A_269 = arith.index_cast %swap3A_268 : i32 to index
    %swap3A_270 = arith.constant 0 : index
    %swap3A_271 = tpu.vector_load %arg6[%swap3A_269, %swap3A_270] {strides = array<i32>} : memref<4x128xi32, #tpu.memory_space<vmem>>, vector<16xi32>,
    tpu.vector_store %arg6[%swap3A_269, %swap3A_270], %or3A_267 {strides = array<i32>} : memref<4x128xi32, #tpu.memory_space<vmem>>, vector<16xi32>,
    %get3A_272 = arith.constant 272 : index
    %get3A_273 = tpu.vector_load %arg5[%get3A_272] {strides = array<i32>} : memref<512xi32, #tpu.memory_space<vmem>>, vector<16xi32>,
    %shift_right_arithmetic3A_274 = arith.constant 9 : i32
    %shift_right_arithmetic3A_275 = vector.broadcast %shift_right_arithmetic3A_274 : i32 to vector<16xi32>
    %shift_right_arithmetic3A_276 = arith.shrsi %get3A_273, %shift_right_arithmetic3A_275 : vector<16xi32>
    %shift_left3A_277 = arith.constant 7 : i32
    %shift_left3A_278 = vector.broadcast %shift_left3A_277 : i32 to vector<16xi32>
    %shift_left3A_279 = arith.shli %shift_right_arithmetic3A_276, %shift_left3A_278 : vector<16xi32>
    %and3A_280 = arith.constant 127 : i32
    %and3A_281 = vector.broadcast %and3A_280 : i32 to vector<16xi32>
    %and3A_282 = arith.andi %get3A_273, %and3A_281 : vector<16xi32>
    %or3A_283 = arith.ori %shift_left3A_279, %and3A_282 : vector<16xi32>
    %swap3A_284 = arith.constant 2 : i32
    %swap3A_285 = arith.index_cast %swap3A_284 : i32 to index
    %swap3A_286 = arith.constant 16 : index
    %swap3A_287 = tpu.vector_load %arg6[%swap3A_285, %swap3A_286] {strides = array<i32>} : memref<4x128xi32, #tpu.memory_space<vmem>>, vector<16xi32>,
    tpu.vector_store %arg6[%swap3A_285, %swap3A_286], %or3A_283 {strides = array<i32>} : memref<4x128xi32, #tpu.memory_space<vmem>>, vector<16xi32>,
    %get3A_288 = arith.constant 288 : index
    %get3A_289 = tpu.vector_load %arg5[%get3A_288] {strides = array<i32>} : memref<512xi32, #tpu.memory_space<vmem>>, vector<16xi32>,
    %shift_right_arithmetic3A_290 = arith.constant 9 : i32
    %shift_right_arithmetic3A_291 = vector.broadcast %shift_right_arithmetic3A_290 : i32 to vector<16xi32>
    %shift_right_arithmetic3A_292 = arith.shrsi %get3A_289, %shift_right_arithmetic3A_291 : vector<16xi32>
    %shift_left3A_293 = arith.constant 7 : i32
    %shift_left3A_294 = vector.broadcast %shift_left3A_293 : i32 to vector<16xi32>
    %shift_left3A_295 = arith.shli %shift_right_arithmetic3A_292, %shift_left3A_294 : vector<16xi32>
    %and3A_296 = arith.constant 127 : i32
    %and3A_297 = vector.broadcast %and3A_296 : i32 to vector<16xi32>
    %and3A_298 = arith.andi %get3A_289, %and3A_297 : vector<16xi32>
    %or3A_299 = arith.ori %shift_left3A_295, %and3A_298 : vector<16xi32>
    %swap3A_300 = arith.constant 2 : i32
    %swap3A_301 = arith.index_cast %swap3A_300 : i32 to index
    %swap3A_302 = arith.constant 32 : index
    %swap3A_303 = tpu.vector_load %arg6[%swap3A_301, %swap3A_302] {strides = array<i32>} : memref<4x128xi32, #tpu.memory_space<vmem>>, vector<16xi32>,
    tpu.vector_store %arg6[%swap3A_301, %swap3A_302], %or3A_299 {strides = array<i32>} : memref<4x128xi32, #tpu.memory_space<vmem>>, vector<16xi32>,
    %get3A_304 = arith.constant 304 : index
    %get3A_305 = tpu.vector_load %arg5[%get3A_304] {strides = array<i32>} : memref<512xi32, #tpu.memory_space<vmem>>, vector<16xi32>,
    %shift_right_arithmetic3A_306 = arith.constant 9 : i32
    %shift_right_arithmetic3A_307 = vector.broadcast %shift_right_arithmetic3A_306 : i32 to vector<16xi32>
    %shift_right_arithmetic3A_308 = arith.shrsi %get3A_305, %shift_right_arithmetic3A_307 : vector<16xi32>
    %shift_left3A_309 = arith.constant 7 : i32
    %shift_left3A_310 = vector.broadcast %shift_left3A_309 : i32 to vector<16xi32>
    %shift_left3A_311 = arith.shli %shift_right_arithmetic3A_308, %shift_left3A_310 : vector<16xi32>
    %and3A_312 = arith.constant 127 : i32
    %and3A_313 = vector.broadcast %and3A_312 : i32 to vector<16xi32>
    %and3A_314 = arith.andi %get3A_305, %and3A_313 : vector<16xi32>
    %or3A_315 = arith.ori %shift_left3A_311, %and3A_314 : vector<16xi32>
    %swap3A_316 = arith.constant 2 : i32
    %swap3A_317 = arith.index_cast %swap3A_316 : i32 to index
    %swap3A_318 = arith.constant 48 : index
    %swap3A_319 = tpu.vector_load %arg6[%swap3A_317, %swap3A_318] {strides = array<i32>} : memref<4x128xi32, #tpu.memory_space<vmem>>, vector<16xi32>,
    tpu.vector_store %arg6[%swap3A_317, %swap3A_318], %or3A_315 {strides = array<i32>} : memref<4x128xi32, #tpu.memory_space<vmem>>, vector<16xi32>,
    %get3A_320 = arith.constant 320 : index
    %get3A_321 = tpu.vector_load %arg5[%get3A_320] {strides = array<i32>} : memref<512xi32, #tpu.memory_space<vmem>>, vector<16xi32>,
    %shift_right_arithmetic3A_322 = arith.constant 9 : i32
    %shift_right_arithmetic3A_323 = vector.broadcast %shift_right_arithmetic3A_322 : i32 to vector<16xi32>
    %shift_right_arithmetic3A_324 = arith.shrsi %get3A_321, %shift_right_arithmetic3A_323 : vector<16xi32>
    %shift_left3A_325 = arith.constant 7 : i32
    %shift_left3A_326 = vector.broadcast %shift_left3A_325 : i32 to vector<16xi32>
    %shift_left3A_327 = arith.shli %shift_right_arithmetic3A_324, %shift_left3A_326 : vector<16xi32>
    %and3A_328 = arith.constant 127 : i32
    %and3A_329 = vector.broadcast %and3A_328 : i32 to vector<16xi32>
    %and3A_330 = arith.andi %get3A_321, %and3A_329 : vector<16xi32>
    %or3A_331 = arith.ori %shift_left3A_327, %and3A_330 : vector<16xi32>
    %swap3A_332 = arith.constant 2 : i32
    %swap3A_333 = arith.index_cast %swap3A_332 : i32 to index
    %swap3A_334 = arith.constant 64 : index
    %swap3A_335 = tpu.vector_load %arg6[%swap3A_333, %swap3A_334] {strides = array<i32>} : memref<4x128xi32, #tpu.memory_space<vmem>>, vector<16xi32>,
    tpu.vector_store %arg6[%swap3A_333, %swap3A_334], %or3A_331 {strides = array<i32>} : memref<4x128xi32, #tpu.memory_space<vmem>>, vector<16xi32>,
    %get3A_336 = arith.constant 336 : index
    %get3A_337 = tpu.vector_load %arg5[%get3A_336] {strides = array<i32>} : memref<512xi32, #tpu.memory_space<vmem>>, vector<16xi32>,
    %shift_right_arithmetic3A_338 = arith.constant 9 : i32
    %shift_right_arithmetic3A_339 = vector.broadcast %shift_right_arithmetic3A_338 : i32 to vector<16xi32>
    %shift_right_arithmetic3A_340 = arith.shrsi %get3A_337, %shift_right_arithmetic3A_339 : vector<16xi32>
    %shift_left3A_341 = arith.constant 7 : i32
    %shift_left3A_342 = vector.broadcast %shift_left3A_341 : i32 to vector<16xi32>
    %shift_left3A_343 = arith.shli %shift_right_arithmetic3A_340, %shift_left3A_342 : vector<16xi32>
    %and3A_344 = arith.constant 127 : i32
    %and3A_345 = vector.broadcast %and3A_344 : i32 to vector<16xi32>
    %and3A_346 = arith.andi %get3A_337, %and3A_345 : vector<16xi32>
    %or3A_347 = arith.ori %shift_left3A_343, %and3A_346 : vector<16xi32>
    %swap3A_348 = arith.constant 2 : i32
    %swap3A_349 = arith.index_cast %swap3A_348 : i32 to index
    %swap3A_350 = arith.constant 80 : index
    %swap3A_351 = tpu.vector_load %arg6[%swap3A_349, %swap3A_350] {strides = array<i32>} : memref<4x128xi32, #tpu.memory_space<vmem>>, vector<16xi32>,
    tpu.vector_store %arg6[%swap3A_349, %swap3A_350], %or3A_347 {strides = array<i32>} : memref<4x128xi32, #tpu.memory_space<vmem>>, vector<16xi32>,
    %get3A_352 = arith.constant 352 : index
    %get3A_353 = tpu.vector_load %arg5[%get3A_352] {strides = array<i32>} : memref<512xi32, #tpu.memory_space<vmem>>, vector<16xi32>,
    %shift_right_arithmetic3A_354 = arith.constant 9 : i32
    %shift_right_arithmetic3A_355 = vector.broadcast %shift_right_arithmetic3A_354 : i32 to vector<16xi32>
    %shift_right_arithmetic3A_356 = arith.shrsi %get3A_353, %shift_right_arithmetic3A_355 : vector<16xi32>
    %shift_left3A_357 = arith.constant 7 : i32
    %shift_left3A_358 = vector.broadcast %shift_left3A_357 : i32 to vector<16xi32>
    %shift_left3A_359 = arith.shli %shift_right_arithmetic3A_356, %shift_left3A_358 : vector<16xi32>
    %and3A_360 = arith.constant 127 : i32
    %and3A_361 = vector.broadcast %and3A_360 : i32 to vector<16xi32>
    %and3A_362 = arith.andi %get3A_353, %and3A_361 : vector<16xi32>
    %or3A_363 = arith.ori %shift_left3A_359, %and3A_362 : vector<16xi32>
    %swap3A_364 = arith.constant 2 : i32
    %swap3A_365 = arith.index_cast %swap3A_364 : i32 to index
    %swap3A_366 = arith.constant 96 : index
    %swap3A_367 = tpu.vector_load %arg6[%swap3A_365, %swap3A_366] {strides = array<i32>} : memref<4x128xi32, #tpu.memory_space<vmem>>, vector<16xi32>,
    tpu.vector_store %arg6[%swap3A_365, %swap3A_366], %or3A_363 {strides = array<i32>} : memref<4x128xi32, #tpu.memory_space<vmem>>, vector<16xi32>,
    %get3A_368 = arith.constant 368 : index
    %get3A_369 = tpu.vector_load %arg5[%get3A_368] {strides = array<i32>} : memref<512xi32, #tpu.memory_space<vmem>>, vector<16xi32>,
    %shift_right_arithmetic3A_370 = arith.constant 9 : i32
    %shift_right_arithmetic3A_371 = vector.broadcast %shift_right_arithmetic3A_370 : i32 to vector<16xi32>
    %shift_right_arithmetic3A_372 = arith.shrsi %get3A_369, %shift_right_arithmetic3A_371 : vector<16xi32>
    %shift_left3A_373 = arith.constant 7 : i32
    %shift_left3A_374 = vector.broadcast %shift_left3A_373 : i32 to vector<16xi32>
    %shift_left3A_375 = arith.shli %shift_right_arithmetic3A_372, %shift_left3A_374 : vector<16xi32>
    %and3A_376 = arith.constant 127 : i32
    %and3A_377 = vector.broadcast %and3A_376 : i32 to vector<16xi32>
    %and3A_378 = arith.andi %get3A_369, %and3A_377 : vector<16xi32>
    %or3A_379 = arith.ori %shift_left3A_375, %and3A_378 : vector<16xi32>
    %swap3A_380 = arith.constant 2 : i32
    %swap3A_381 = arith.index_cast %swap3A_380 : i32 to index
    %swap3A_382 = arith.constant 112 : index
    %swap3A_383 = tpu.vector_load %arg6[%swap3A_381, %swap3A_382] {strides = array<i32>} : memref<4x128xi32, #tpu.memory_space<vmem>>, vector<16xi32>,
    tpu.vector_store %arg6[%swap3A_381, %swap3A_382], %or3A_379 {strides = array<i32>} : memref<4x128xi32, #tpu.memory_space<vmem>>, vector<16xi32>,
    %get3A_384 = arith.constant 384 : index
    %get3A_385 = tpu.vector_load %arg5[%get3A_384] {strides = array<i32>} : memref<512xi32, #tpu.memory_space<vmem>>, vector<16xi32>,
    %shift_right_arithmetic3A_386 = arith.constant 9 : i32
    %shift_right_arithmetic3A_387 = vector.broadcast %shift_right_arithmetic3A_386 : i32 to vector<16xi32>
    %shift_right_arithmetic3A_388 = arith.shrsi %get3A_385, %shift_right_arithmetic3A_387 : vector<16xi32>
    %shift_left3A_389 = arith.constant 7 : i32
    %shift_left3A_390 = vector.broadcast %shift_left3A_389 : i32 to vector<16xi32>
    %shift_left3A_391 = arith.shli %shift_right_arithmetic3A_388, %shift_left3A_390 : vector<16xi32>
    %and3A_392 = arith.constant 127 : i32
    %and3A_393 = vector.broadcast %and3A_392 : i32 to vector<16xi32>
    %and3A_394 = arith.andi %get3A_385, %and3A_393 : vector<16xi32>
    %or3A_395 = arith.ori %shift_left3A_391, %and3A_394 : vector<16xi32>
    %swap3A_396 = arith.constant 3 : i32
    %swap3A_397 = arith.index_cast %swap3A_396 : i32 to index
    %swap3A_398 = arith.constant 0 : index
    %swap3A_399 = tpu.vector_load %arg6[%swap3A_397, %swap3A_398] {strides = array<i32>} : memref<4x128xi32, #tpu.memory_space<vmem>>, vector<16xi32>,
    tpu.vector_store %arg6[%swap3A_397, %swap3A_398], %or3A_395 {strides = array<i32>} : memref<4x128xi32, #tpu.memory_space<vmem>>, vector<16xi32>,
    %get3A_400 = arith.constant 400 : index
    %get3A_401 = tpu.vector_load %arg5[%get3A_400] {strides = array<i32>} : memref<512xi32, #tpu.memory_space<vmem>>, vector<16xi32>,
    %shift_right_arithmetic3A_402 = arith.constant 9 : i32
    %shift_right_arithmetic3A_403 = vector.broadcast %shift_right_arithmetic3A_402 : i32 to vector<16xi32>
    %shift_right_arithmetic3A_404 = arith.shrsi %get3A_401, %shift_right_arithmetic3A_403 : vector<16xi32>
    %shift_left3A_405 = arith.constant 7 : i32
    %shift_left3A_406 = vector.broadcast %shift_left3A_405 : i32 to vector<16xi32>
    %shift_left3A_407 = arith.shli %shift_right_arithmetic3A_404, %shift_left3A_406 : vector<16xi32>
    %and3A_408 = arith.constant 127 : i32
    %and3A_409 = vector.broadcast %and3A_408 : i32 to vector<16xi32>
    %and3A_410 = arith.andi %get3A_401, %and3A_409 : vector<16xi32>
    %or3A_411 = arith.ori %shift_left3A_407, %and3A_410 : vector<16xi32>
    %swap3A_412 = arith.constant 3 : i32
    %swap3A_413 = arith.index_cast %swap3A_412 : i32 to index
    %swap3A_414 = arith.constant 16 : index
    %swap3A_415 = tpu.vector_load %arg6[%swap3A_413, %swap3A_414] {strides = array<i32>} : memref<4x128xi32, #tpu.memory_space<vmem>>, vector<16xi32>,
    tpu.vector_store %arg6[%swap3A_413, %swap3A_414], %or3A_411 {strides = array<i32>} : memref<4x128xi32, #tpu.memory_space<vmem>>, vector<16xi32>,
    %get3A_416 = arith.constant 416 : index
    %get3A_417 = tpu.vector_load %arg5[%get3A_416] {strides = array<i32>} : memref<512xi32, #tpu.memory_space<vmem>>, vector<16xi32>,
    %shift_right_arithmetic3A_418 = arith.constant 9 : i32
    %shift_right_arithmetic3A_419 = vector.broadcast %shift_right_arithmetic3A_418 : i32 to vector<16xi32>
    %shift_right_arithmetic3A_420 = arith.shrsi %get3A_417, %shift_right_arithmetic3A_419 : vector<16xi32>
    %shift_left3A_421 = arith.constant 7 : i32
    %shift_left3A_422 = vector.broadcast %shift_left3A_421 : i32 to vector<16xi32>
    %shift_left3A_423 = arith.shli %shift_right_arithmetic3A_420, %shift_left3A_422 : vector<16xi32>
    %and3A_424 = arith.constant 127 : i32
    %and3A_425 = vector.broadcast %and3A_424 : i32 to vector<16xi32>
    %and3A_426 = arith.andi %get3A_417, %and3A_425 : vector<16xi32>
    %or3A_427 = arith.ori %shift_left3A_423, %and3A_426 : vector<16xi32>
    %swap3A_428 = arith.constant 3 : i32
    %swap3A_429 = arith.index_cast %swap3A_428 : i32 to index
    %swap3A_430 = arith.constant 32 : index
    %swap3A_431 = tpu.vector_load %arg6[%swap3A_429, %swap3A_430] {strides = array<i32>} : memref<4x128xi32, #tpu.memory_space<vmem>>, vector<16xi32>,
    tpu.vector_store %arg6[%swap3A_429, %swap3A_430], %or3A_427 {strides = array<i32>} : memref<4x128xi32, #tpu.memory_space<vmem>>, vector<16xi32>,
    %get3A_432 = arith.constant 432 : index
    %get3A_433 = tpu.vector_load %arg5[%get3A_432] {strides = array<i32>} : memref<512xi32, #tpu.memory_space<vmem>>, vector<16xi32>,
    %shift_right_arithmetic3A_434 = arith.constant 9 : i32
    %shift_right_arithmetic3A_435 = vector.broadcast %shift_right_arithmetic3A_434 : i32 to vector<16xi32>
    %shift_right_arithmetic3A_436 = arith.shrsi %get3A_433, %shift_right_arithmetic3A_435 : vector<16xi32>
    %shift_left3A_437 = arith.constant 7 : i32
    %shift_left3A_438 = vector.broadcast %shift_left3A_437 : i32 to vector<16xi32>
    %shift_left3A_439 = arith.shli %shift_right_arithmetic3A_436, %shift_left3A_438 : vector<16xi32>
    %and3A_440 = arith.constant 127 : i32
    %and3A_441 = vector.broadcast %and3A_440 : i32 to vector<16xi32>
    %and3A_442 = arith.andi %get3A_433, %and3A_441 : vector<16xi32>
    %or3A_443 = arith.ori %shift_left3A_439, %and3A_442 : vector<16xi32>
    %swap3A_444 = arith.constant 3 : i32
    %swap3A_445 = arith.index_cast %swap3A_444 : i32 to index
    %swap3A_446 = arith.constant 48 : index
    %swap3A_447 = tpu.vector_load %arg6[%swap3A_445, %swap3A_446] {strides = array<i32>} : memref<4x128xi32, #tpu.memory_space<vmem>>, vector<16xi32>,
    tpu.vector_store %arg6[%swap3A_445, %swap3A_446], %or3A_443 {strides = array<i32>} : memref<4x128xi32, #tpu.memory_space<vmem>>, vector<16xi32>,
    %get3A_448 = arith.constant 448 : index
    %get3A_449 = tpu.vector_load %arg5[%get3A_448] {strides = array<i32>} : memref<512xi32, #tpu.memory_space<vmem>>, vector<16xi32>,
    %shift_right_arithmetic3A_450 = arith.constant 9 : i32
    %shift_right_arithmetic3A_451 = vector.broadcast %shift_right_arithmetic3A_450 : i32 to vector<16xi32>
    %shift_right_arithmetic3A_452 = arith.shrsi %get3A_449, %shift_right_arithmetic3A_451 : vector<16xi32>
    %shift_left3A_453 = arith.constant 7 : i32
    %shift_left3A_454 = vector.broadcast %shift_left3A_453 : i32 to vector<16xi32>
    %shift_left3A_455 = arith.shli %shift_right_arithmetic3A_452, %shift_left3A_454 : vector<16xi32>
    %and3A_456 = arith.constant 127 : i32
    %and3A_457 = vector.broadcast %and3A_456 : i32 to vector<16xi32>
    %and3A_458 = arith.andi %get3A_449, %and3A_457 : vector<16xi32>
    %or3A_459 = arith.ori %shift_left3A_455, %and3A_458 : vector<16xi32>
    %swap3A_460 = arith.constant 3 : i32
    %swap3A_461 = arith.index_cast %swap3A_460 : i32 to index
    %swap3A_462 = arith.constant 64 : index
    %swap3A_463 = tpu.vector_load %arg6[%swap3A_461, %swap3A_462] {strides = array<i32>} : memref<4x128xi32, #tpu.memory_space<vmem>>, vector<16xi32>,
    tpu.vector_store %arg6[%swap3A_461, %swap3A_462], %or3A_459 {strides = array<i32>} : memref<4x128xi32, #tpu.memory_space<vmem>>, vector<16xi32>,
    %get3A_464 = arith.constant 464 : index
    %get3A_465 = tpu.vector_load %arg5[%get3A_464] {strides = array<i32>} : memref<512xi32, #tpu.memory_space<vmem>>, vector<16xi32>,
    %shift_right_arithmetic3A_466 = arith.constant 9 : i32
    %shift_right_arithmetic3A_467 = vector.broadcast %shift_right_arithmetic3A_466 : i32 to vector<16xi32>
    %shift_right_arithmetic3A_468 = arith.shrsi %get3A_465, %shift_right_arithmetic3A_467 : vector<16xi32>
    %shift_left3A_469 = arith.constant 7 : i32
    %shift_left3A_470 = vector.broadcast %shift_left3A_469 : i32 to vector<16xi32>
    %shift_left3A_471 = arith.shli %shift_right_arithmetic3A_468, %shift_left3A_470 : vector<16xi32>
    %and3A_472 = arith.constant 127 : i32
    %and3A_473 = vector.broadcast %and3A_472 : i32 to vector<16xi32>
    %and3A_474 = arith.andi %get3A_465, %and3A_473 : vector<16xi32>
    %or3A_475 = arith.ori %shift_left3A_471, %and3A_474 : vector<16xi32>
    %swap3A_476 = arith.constant 3 : i32
    %swap3A_477 = arith.index_cast %swap3A_476 : i32 to index
    %swap3A_478 = arith.constant 80 : index
    %swap3A_479 = tpu.vector_load %arg6[%swap3A_477, %swap3A_478] {strides = array<i32>} : memref<4x128xi32, #tpu.memory_space<vmem>>, vector<16xi32>,
    tpu.vector_store %arg6[%swap3A_477, %swap3A_478], %or3A_475 {strides = array<i32>} : memref<4x128xi32, #tpu.memory_space<vmem>>, vector<16xi32>,
    %get3A_480 = arith.constant 480 : index
    %get3A_481 = tpu.vector_load %arg5[%get3A_480] {strides = array<i32>} : memref<512xi32, #tpu.memory_space<vmem>>, vector<16xi32>,
    %shift_right_arithmetic3A_482 = arith.constant 9 : i32
    %shift_right_arithmetic3A_483 = vector.broadcast %shift_right_arithmetic3A_482 : i32 to vector<16xi32>
    %shift_right_arithmetic3A_484 = arith.shrsi %get3A_481, %shift_right_arithmetic3A_483 : vector<16xi32>
    %shift_left3A_485 = arith.constant 7 : i32
    %shift_left3A_486 = vector.broadcast %shift_left3A_485 : i32 to vector<16xi32>
    %shift_left3A_487 = arith.shli %shift_right_arithmetic3A_484, %shift_left3A_486 : vector<16xi32>
    %and3A_488 = arith.constant 127 : i32
    %and3A_489 = vector.broadcast %and3A_488 : i32 to vector<16xi32>
    %and3A_490 = arith.andi %get3A_481, %and3A_489 : vector<16xi32>
    %or3A_491 = arith.ori %shift_left3A_487, %and3A_490 : vector<16xi32>
    %swap3A_492 = arith.constant 3 : i32
    %swap3A_493 = arith.index_cast %swap3A_492 : i32 to index
    %swap3A_494 = arith.constant 96 : index
    %swap3A_495 = tpu.vector_load %arg6[%swap3A_493, %swap3A_494] {strides = array<i32>} : memref<4x128xi32, #tpu.memory_space<vmem>>, vector<16xi32>,
    tpu.vector_store %arg6[%swap3A_493, %swap3A_494], %or3A_491 {strides = array<i32>} : memref<4x128xi32, #tpu.memory_space<vmem>>, vector<16xi32>,
    %get3A_496 = arith.constant 496 : index
    %get3A_497 = tpu.vector_load %arg5[%get3A_496] {strides = array<i32>} : memref<512xi32, #tpu.memory_space<vmem>>, vector<16xi32>,
    %shift_right_arithmetic3A_498 = arith.constant 9 : i32
    %shift_right_arithmetic3A_499 = vector.broadcast %shift_right_arithmetic3A_498 : i32 to vector<16xi32>
    %shift_right_arithmetic3A_500 = arith.shrsi %get3A_497, %shift_right_arithmetic3A_499 : vector<16xi32>
    %shift_left3A_501 = arith.constant 7 : i32
    %shift_left3A_502 = vector.broadcast %shift_left3A_501 : i32 to vector<16xi32>
    %shift_left3A_503 = arith.shli %shift_right_arithmetic3A_500, %shift_left3A_502 : vector<16xi32>
    %and3A_504 = arith.constant 127 : i32
    %and3A_505 = vector.broadcast %and3A_504 : i32 to vector<16xi32>
    %and3A_506 = arith.andi %get3A_497, %and3A_505 : vector<16xi32>
    %or3A_507 = arith.ori %shift_left3A_503, %and3A_506 : vector<16xi32>
    %swap3A_508 = arith.constant 3 : i32
    %swap3A_509 = arith.index_cast %swap3A_508 : i32 to index
    %swap3A_510 = arith.constant 112 : index
    %swap3A_511 = tpu.vector_load %arg6[%swap3A_509, %swap3A_510] {strides = array<i32>} : memref<4x128xi32, #tpu.memory_space<vmem>>, vector<16xi32>,
    tpu.vector_store %arg6[%swap3A_509, %swap3A_510], %or3A_507 {strides = array<i32>} : memref<4x128xi32, #tpu.memory_space<vmem>>, vector<16xi32>,
    %dma_start3A = arith.constant 0 : i32
    %dma_start3A_512 = arith.constant 0 : i32
    %dma_start3A_513 = arith.constant 0 : i32
    %dma_start3A_514 = tpu.memref_slice %arg7[%dma_start3A_512, %dma_start3A_513] : memref<512x128xf32, #tpu.memory_space<vmem>> -> memref<128x128xf32, #tpu.memory_space<vmem>>
    %dma_start3A_515 = arith.constant 0 : i32
    %dma_start3A_516 = tpu.memref_slice %arg6[%dma_start3A, %dma_start3A_515] : memref<4x128xi32, #tpu.memory_space<vmem>> -> memref<1x128xi32, #tpu.memory_space<vmem>>
    %dma_start3A_517 = tpu.memref_squeeze %dma_start3A_516 : memref<1x128xi32, #tpu.memory_space<vmem>> -> memref<128xi32, #tpu.memory_space<vmem>>
    %dma_start3A_518 = arith.constant 0 : i32
    %dma_start3A_519 = arith.constant 0 : i32
    %dma_start3A_520 = tpu.memref_slice %arg3[%dma_start3A_518, %dma_start3A_519] : memref<250112x128xf32, #tpu.memory_space<hbm>> -> memref<250112x128xf32, #tpu.memory_space<hbm>>
    tpu.enqueue_indirect_dma source(%dma_start3A_520 : memref<250112x128xf32, #tpu.memory_space<hbm>>) target(%dma_start3A_514 : memref<128x128xf32, #tpu.memory_space<vmem>>) offsets(%dma_start3A_517 : memref<128xi32, #tpu.memory_space<vmem>>) semaphore(%arg9 : memref<!tpu.dma_semaphore, #tpu.memory_space<semaphore_mem>>)
    %dma_start3A_521 = arith.constant 1 : i32
    %dma_start3A_522 = arith.constant 128 : i32
    %dma_start3A_523 = arith.constant 0 : i32
    %dma_start3A_524 = tpu.memref_slice %arg7[%dma_start3A_522, %dma_start3A_523] : memref<512x128xf32, #tpu.memory_space<vmem>> -> memref<128x128xf32, #tpu.memory_space<vmem>>
    %dma_start3A_525 = arith.constant 0 : i32
    %dma_start3A_526 = tpu.memref_slice %arg6[%dma_start3A_521, %dma_start3A_525] : memref<4x128xi32, #tpu.memory_space<vmem>> -> memref<1x128xi32, #tpu.memory_space<vmem>>
    %dma_start3A_527 = tpu.memref_squeeze %dma_start3A_526 : memref<1x128xi32, #tpu.memory_space<vmem>> -> memref<128xi32, #tpu.memory_space<vmem>>
    %dma_start3A_528 = arith.constant 0 : i32
    %dma_start3A_529 = arith.constant 0 : i32
    %dma_start3A_530 = tpu.memref_slice %arg3[%dma_start3A_528, %dma_start3A_529] : memref<250112x128xf32, #tpu.memory_space<hbm>> -> memref<250112x128xf32, #tpu.memory_space<hbm>>
    tpu.enqueue_indirect_dma source(%dma_start3A_530 : memref<250112x128xf32, #tpu.memory_space<hbm>>) target(%dma_start3A_524 : memref<128x128xf32, #tpu.memory_space<vmem>>) offsets(%dma_start3A_527 : memref<128xi32, #tpu.memory_space<vmem>>) semaphore(%arg9 : memref<!tpu.dma_semaphore, #tpu.memory_space<semaphore_mem>>)
    %dma_start3A_531 = arith.constant 2 : i32
    %dma_start3A_532 = arith.constant 256 : i32
    %dma_start3A_533 = arith.constant 0 : i32
    %dma_start3A_534 = tpu.memref_slice %arg7[%dma_start3A_532, %dma_start3A_533] : memref<512x128xf32, #tpu.memory_space<vmem>> -> memref<128x128xf32, #tpu.memory_space<vmem>>
    %dma_start3A_535 = arith.constant 0 : i32
    %dma_start3A_536 = tpu.memref_slice %arg6[%dma_start3A_531, %dma_start3A_535] : memref<4x128xi32, #tpu.memory_space<vmem>> -> memref<1x128xi32, #tpu.memory_space<vmem>>
    %dma_start3A_537 = tpu.memref_squeeze %dma_start3A_536 : memref<1x128xi32, #tpu.memory_space<vmem>> -> memref<128xi32, #tpu.memory_space<vmem>>
    %dma_start3A_538 = arith.constant 0 : i32
    %dma_start3A_539 = arith.constant 0 : i32
    %dma_start3A_540 = tpu.memref_slice %arg3[%dma_start3A_538, %dma_start3A_539] : memref<250112x128xf32, #tpu.memory_space<hbm>> -> memref<250112x128xf32, #tpu.memory_space<hbm>>
    tpu.enqueue_indirect_dma source(%dma_start3A_540 : memref<250112x128xf32, #tpu.memory_space<hbm>>) target(%dma_start3A_534 : memref<128x128xf32, #tpu.memory_space<vmem>>) offsets(%dma_start3A_537 : memref<128xi32, #tpu.memory_space<vmem>>) semaphore(%arg9 : memref<!tpu.dma_semaphore, #tpu.memory_space<semaphore_mem>>)
    %dma_start3A_541 = arith.constant 3 : i32
    %dma_start3A_542 = arith.constant 384 : i32
    %dma_start3A_543 = arith.constant 0 : i32
    %dma_start3A_544 = tpu.memref_slice %arg7[%dma_start3A_542, %dma_start3A_543] : memref<512x128xf32, #tpu.memory_space<vmem>> -> memref<128x128xf32, #tpu.memory_space<vmem>>
    %dma_start3A_545 = arith.constant 0 : i32
    %dma_start3A_546 = tpu.memref_slice %arg6[%dma_start3A_541, %dma_start3A_545] : memref<4x128xi32, #tpu.memory_space<vmem>> -> memref<1x128xi32, #tpu.memory_space<vmem>>
    %dma_start3A_547 = tpu.memref_squeeze %dma_start3A_546 : memref<1x128xi32, #tpu.memory_space<vmem>> -> memref<128xi32, #tpu.memory_space<vmem>>
    %dma_start3A_548 = arith.constant 0 : i32
    %dma_start3A_549 = arith.constant 0 : i32
    %dma_start3A_550 = tpu.memref_slice %arg3[%dma_start3A_548, %dma_start3A_549] : memref<250112x128xf32, #tpu.memory_space<hbm>> -> memref<250112x128xf32, #tpu.memory_space<hbm>>
    tpu.enqueue_indirect_dma source(%dma_start3A_550 : memref<250112x128xf32, #tpu.memory_space<hbm>>) target(%dma_start3A_544 : memref<128x128xf32, #tpu.memory_space<vmem>>) offsets(%dma_start3A_547 : memref<128xi32, #tpu.memory_space<vmem>>) semaphore(%arg9 : memref<!tpu.dma_semaphore, #tpu.memory_space<semaphore_mem>>)
    %dma_wait3A = arith.constant 0 : i32
    %dma_wait3A_551 = arith.constant 0 : i32
    %dma_wait3A_552 = arith.constant 0 : i32
    %dma_wait3A_553 = tpu.memref_slice %arg7[%dma_wait3A_551, %dma_wait3A_552] : memref<512x128xf32, #tpu.memory_space<vmem>> -> memref<128x128xf32, #tpu.memory_space<vmem>>
    %dma_wait3A_554 = arith.constant 0 : i32
    %dma_wait3A_555 = tpu.memref_slice %arg6[%dma_wait3A, %dma_wait3A_554] : memref<4x128xi32, #tpu.memory_space<vmem>> -> memref<1x128xi32, #tpu.memory_space<vmem>>
    %dma_wait3A_556 = tpu.memref_squeeze %dma_wait3A_555 : memref<1x128xi32, #tpu.memory_space<vmem>> -> memref<128xi32, #tpu.memory_space<vmem>>
    %dma_wait3A_557 = arith.constant 0 : i32
    %dma_wait3A_558 = arith.constant 0 : i32
    %dma_wait3A_559 = tpu.memref_slice %arg3[%dma_wait3A_557, %dma_wait3A_558] : memref<250112x128xf32, #tpu.memory_space<hbm>> -> memref<250112x128xf32, #tpu.memory_space<hbm>>
    tpu.wait_indirect_dma semaphore(%arg9 : memref<!tpu.dma_semaphore, #tpu.memory_space<semaphore_mem>>) src(%dma_wait3A_559 : memref<250112x128xf32, #tpu.memory_space<hbm>>) dst(%dma_wait3A_553 : memref<128x128xf32, #tpu.memory_space<vmem>>)
    %dma_wait3A_560 = arith.constant 1 : i32
    %dma_wait3A_561 = arith.constant 128 : i32
    %dma_wait3A_562 = arith.constant 0 : i32
    %dma_wait3A_563 = tpu.memref_slice %arg7[%dma_wait3A_561, %dma_wait3A_562] : memref<512x128xf32, #tpu.memory_space<vmem>> -> memref<128x128xf32, #tpu.memory_space<vmem>>
    %dma_wait3A_564 = arith.constant 0 : i32
    %dma_wait3A_565 = tpu.memref_slice %arg6[%dma_wait3A_560, %dma_wait3A_564] : memref<4x128xi32, #tpu.memory_space<vmem>> -> memref<1x128xi32, #tpu.memory_space<vmem>>
    %dma_wait3A_566 = tpu.memref_squeeze %dma_wait3A_565 : memref<1x128xi32, #tpu.memory_space<vmem>> -> memref<128xi32, #tpu.memory_space<vmem>>
    %dma_wait3A_567 = arith.constant 0 : i32
    %dma_wait3A_568 = arith.constant 0 : i32
    %dma_wait3A_569 = tpu.memref_slice %arg3[%dma_wait3A_567, %dma_wait3A_568] : memref<250112x128xf32, #tpu.memory_space<hbm>> -> memref<250112x128xf32, #tpu.memory_space<hbm>>
    tpu.wait_indirect_dma semaphore(%arg9 : memref<!tpu.dma_semaphore, #tpu.memory_space<semaphore_mem>>) src(%dma_wait3A_569 : memref<250112x128xf32, #tpu.memory_space<hbm>>) dst(%dma_wait3A_563 : memref<128x128xf32, #tpu.memory_space<vmem>>)
    %dma_wait3A_570 = arith.constant 2 : i32
    %dma_wait3A_571 = arith.constant 256 : i32
    %dma_wait3A_572 = arith.constant 0 : i32
    %dma_wait3A_573 = tpu.memref_slice %arg7[%dma_wait3A_571, %dma_wait3A_572] : memref<512x128xf32, #tpu.memory_space<vmem>> -> memref<128x128xf32, #tpu.memory_space<vmem>>
    %dma_wait3A_574 = arith.constant 0 : i32
    %dma_wait3A_575 = tpu.memref_slice %arg6[%dma_wait3A_570, %dma_wait3A_574] : memref<4x128xi32, #tpu.memory_space<vmem>> -> memref<1x128xi32, #tpu.memory_space<vmem>>
    %dma_wait3A_576 = tpu.memref_squeeze %dma_wait3A_575 : memref<1x128xi32, #tpu.memory_space<vmem>> -> memref<128xi32, #tpu.memory_space<vmem>>
    %dma_wait3A_577 = arith.constant 0 : i32
    %dma_wait3A_578 = arith.constant 0 : i32
    %dma_wait3A_579 = tpu.memref_slice %arg3[%dma_wait3A_577, %dma_wait3A_578] : memref<250112x128xf32, #tpu.memory_space<hbm>> -> memref<250112x128xf32, #tpu.memory_space<hbm>>
    tpu.wait_indirect_dma semaphore(%arg9 : memref<!tpu.dma_semaphore, #tpu.memory_space<semaphore_mem>>) src(%dma_wait3A_579 : memref<250112x128xf32, #tpu.memory_space<hbm>>) dst(%dma_wait3A_573 : memref<128x128xf32, #tpu.memory_space<vmem>>)
    %dma_wait3A_580 = arith.constant 3 : i32
    %dma_wait3A_581 = arith.constant 384 : i32
    %dma_wait3A_582 = arith.constant 0 : i32
    %dma_wait3A_583 = tpu.memref_slice %arg7[%dma_wait3A_581, %dma_wait3A_582] : memref<512x128xf32, #tpu.memory_space<vmem>> -> memref<128x128xf32, #tpu.memory_space<vmem>>
    %dma_wait3A_584 = arith.constant 0 : i32
    %dma_wait3A_585 = tpu.memref_slice %arg6[%dma_wait3A_580, %dma_wait3A_584] : memref<4x128xi32, #tpu.memory_space<vmem>> -> memref<1x128xi32, #tpu.memory_space<vmem>>
    %dma_wait3A_586 = tpu.memref_squeeze %dma_wait3A_585 : memref<1x128xi32, #tpu.memory_space<vmem>> -> memref<128xi32, #tpu.memory_space<vmem>>
    %dma_wait3A_587 = arith.constant 0 : i32
    %dma_wait3A_588 = arith.constant 0 : i32
    %dma_wait3A_589 = tpu.memref_slice %arg3[%dma_wait3A_587, %dma_wait3A_588] : memref<250112x128xf32, #tpu.memory_space<hbm>> -> memref<250112x128xf32, #tpu.memory_space<hbm>>
    tpu.wait_indirect_dma semaphore(%arg9 : memref<!tpu.dma_semaphore, #tpu.memory_space<semaphore_mem>>) src(%dma_wait3A_589 : memref<250112x128xf32, #tpu.memory_space<hbm>>) dst(%dma_wait3A_583 : memref<128x128xf32, #tpu.memory_space<vmem>>)
    %scan3A = arith.constant 0 : i32
    %scan3A_590 = arith.constant 32 : i32
    %scan3A_591 = arith.addi %scan3A, %scan3A_590 : i32
    %scan3A_592 = arith.constant 1 : i32
    scf.for %scan3A_594 = %scan3A to %scan3A_591 step %scan3A_592  : i32 {
      %mul3A_595 = arith.constant 16 : i32
      %mul3A_596 = arith.muli %scan3A_594, %mul3A_595 : i32
      %add3A_597 = arith.constant 0 : i32
      %add3A_598 = arith.addi %add3A_597, %mul3A_596 : i32
      %get3A_599 = arith.index_cast %add3A_598 : i32 to index
      %get3A_600 = tpu.vector_load %arg5[%get3A_599] {strides = array<i32>} : memref<512xi32, #tpu.memory_space<vmem>>, vector<16xi32>,
      %slice3A = vector.extract_strided_slice %get3A_600 {offsets = [0], sizes = [1], strides = [1]} : vector<16xi32> to vector<1xi32>
      %squeeze3A = vector.extract %slice3A[0] : i32 from vector<1xi32>
      %shift_right_arithmetic3A_601 = arith.constant 7 : i32
      %shift_right_arithmetic3A_602 = arith.shrsi %squeeze3A, %shift_right_arithmetic3A_601 : i32
      %and3A_603 = arith.constant 3 : i32
      %and3A_604 = arith.andi %shift_right_arithmetic3A_602, %and3A_603 : i32
      %shift_left3A_605 = arith.constant 5 : i32
      %shift_left3A_606 = arith.shli %and3A_604, %shift_left3A_605 : i32
      %multiple_of3A_607 = tpu.assume_multiple %shift_left3A_606, 32 : i32
      %add3A_608 = arith.constant 0 : i32
      %add3A_609 = arith.addi %add3A_598, %add3A_608 : i32
      %get3A_610 = arith.constant 0 : i32
      %get3A_611 = tpu.memref_slice %arg7[%add3A_609, %get3A_610] : memref<512x128xf32, #tpu.memory_space<vmem>> -> memref<1x128xf32, #tpu.memory_space<vmem>>
      %get3A_612 = tpu.memref_squeeze %get3A_611 : memref<1x128xf32, #tpu.memory_space<vmem>> -> memref<128xf32, #tpu.memory_space<vmem>>
      %get3A_613 = arith.index_cast %multiple_of3A_607 : i32 to index
      %get3A_614 = tpu.vector_load %get3A_612[%get3A_613] {strides = array<i32>} : memref<128xf32, #tpu.memory_space<vmem>>, vector<16xf32>,
      %add3A_615 = arith.constant 16 : i32
      %add3A_616 = arith.addi %multiple_of3A_607, %add3A_615 : i32
      %get3A_617 = arith.constant 0 : i32
      %get3A_618 = tpu.memref_slice %arg7[%add3A_609, %get3A_617] : memref<512x128xf32, #tpu.memory_space<vmem>> -> memref<1x128xf32, #tpu.memory_space<vmem>>
      %get3A_619 = tpu.memref_squeeze %get3A_618 : memref<1x128xf32, #tpu.memory_space<vmem>> -> memref<128xf32, #tpu.memory_space<vmem>>
      %get3A_620 = arith.index_cast %add3A_616 : i32 to index
      %get3A_621 = tpu.vector_load %get3A_619[%get3A_620] {strides = array<i32>} : memref<128xf32, #tpu.memory_space<vmem>>, vector<16xf32>,
      %add3A_622 = arith.constant 0 : i32
      %add3A_623 = arith.addi %add3A_598, %add3A_622 : i32
      %broadcast_in_dim3A = vector.broadcast %add3A_623 : i32 to vector<16xi32>
      tpu.vector_store_idx %arg8[%iota3A, %broadcast_in_dim3A], %get3A_614 : memref<32x512xf32, #tpu.memory_space<vmem>>[vector<16xi32>, vector<16xi32>], vector<16xf32>,
      tpu.vector_store_idx %arg8[%add3A_5, %broadcast_in_dim3A], %get3A_621 : memref<32x512xf32, #tpu.memory_space<vmem>>[vector<16xi32>, vector<16xi32>], vector<16xf32>,
      %slice3A_624 = vector.extract_strided_slice %get3A_600 {offsets = [1], sizes = [1], strides = [1]} : vector<16xi32> to vector<1xi32>
      %squeeze3A_625 = vector.extract %slice3A_624[0] : i32 from vector<1xi32>
      %shift_right_arithmetic3A_626 = arith.constant 7 : i32
      %shift_right_arithmetic3A_627 = arith.shrsi %squeeze3A_625, %shift_right_arithmetic3A_626 : i32
      %and3A_628 = arith.constant 3 : i32
      %and3A_629 = arith.andi %shift_right_arithmetic3A_627, %and3A_628 : i32
      %shift_left3A_630 = arith.constant 5 : i32
      %shift_left3A_631 = arith.shli %and3A_629, %shift_left3A_630 : i32
      %multiple_of3A_632 = tpu.assume_multiple %shift_left3A_631, 32 : i32
      %add3A_633 = arith.constant 1 : i32
      %add3A_634 = arith.addi %add3A_598, %add3A_633 : i32
      %get3A_635 = arith.constant 0 : i32
      %get3A_636 = tpu.memref_slice %arg7[%add3A_634, %get3A_635] : memref<512x128xf32, #tpu.memory_space<vmem>> -> memref<1x128xf32, #tpu.memory_space<vmem>>
      %get3A_637 = tpu.memref_squeeze %get3A_636 : memref<1x128xf32, #tpu.memory_space<vmem>> -> memref<128xf32, #tpu.memory_space<vmem>>
      %get3A_638 = arith.index_cast %multiple_of3A_632 : i32 to index
      %get3A_639 = tpu.vector_load %get3A_637[%get3A_638] {strides = array<i32>} : memref<128xf32, #tpu.memory_space<vmem>>, vector<16xf32>,
      %add3A_640 = arith.constant 16 : i32
      %add3A_641 = arith.addi %multiple_of3A_632, %add3A_640 : i32
      %get3A_642 = arith.constant 0 : i32
      %get3A_643 = tpu.memref_slice %arg7[%add3A_634, %get3A_642] : memref<512x128xf32, #tpu.memory_space<vmem>> -> memref<1x128xf32, #tpu.memory_space<vmem>>
      %get3A_644 = tpu.memref_squeeze %get3A_643 : memref<1x128xf32, #tpu.memory_space<vmem>> -> memref<128xf32, #tpu.memory_space<vmem>>
      %get3A_645 = arith.index_cast %add3A_641 : i32 to index
      %get3A_646 = tpu.vector_load %get3A_644[%get3A_645] {strides = array<i32>} : memref<128xf32, #tpu.memory_space<vmem>>, vector<16xf32>,
      %add3A_647 = arith.constant 1 : i32
      %add3A_648 = arith.addi %add3A_598, %add3A_647 : i32
      %broadcast_in_dim3A_649 = vector.broadcast %add3A_648 : i32 to vector<16xi32>
      tpu.vector_store_idx %arg8[%iota3A, %broadcast_in_dim3A_649], %get3A_639 : memref<32x512xf32, #tpu.memory_space<vmem>>[vector<16xi32>, vector<16xi32>], vector<16xf32>,
      tpu.vector_store_idx %arg8[%add3A_5, %broadcast_in_dim3A_649], %get3A_646 : memref<32x512xf32, #tpu.memory_space<vmem>>[vector<16xi32>, vector<16xi32>], vector<16xf32>,
      %slice3A_650 = vector.extract_strided_slice %get3A_600 {offsets = [2], sizes = [1], strides = [1]} : vector<16xi32> to vector<1xi32>
      %squeeze3A_651 = vector.extract %slice3A_650[0] : i32 from vector<1xi32>
      %shift_right_arithmetic3A_652 = arith.constant 7 : i32
      %shift_right_arithmetic3A_653 = arith.shrsi %squeeze3A_651, %shift_right_arithmetic3A_652 : i32
      %and3A_654 = arith.constant 3 : i32
      %and3A_655 = arith.andi %shift_right_arithmetic3A_653, %and3A_654 : i32
      %shift_left3A_656 = arith.constant 5 : i32
      %shift_left3A_657 = arith.shli %and3A_655, %shift_left3A_656 : i32
      %multiple_of3A_658 = tpu.assume_multiple %shift_left3A_657, 32 : i32
      %add3A_659 = arith.constant 2 : i32
      %add3A_660 = arith.addi %add3A_598, %add3A_659 : i32
      %get3A_661 = arith.constant 0 : i32
      %get3A_662 = tpu.memref_slice %arg7[%add3A_660, %get3A_661] : memref<512x128xf32, #tpu.memory_space<vmem>> -> memref<1x128xf32, #tpu.memory_space<vmem>>
      %get3A_663 = tpu.memref_squeeze %get3A_662 : memref<1x128xf32, #tpu.memory_space<vmem>> -> memref<128xf32, #tpu.memory_space<vmem>>
      %get3A_664 = arith.index_cast %multiple_of3A_658 : i32 to index
      %get3A_665 = tpu.vector_load %get3A_663[%get3A_664] {strides = array<i32>} : memref<128xf32, #tpu.memory_space<vmem>>, vector<16xf32>,
      %add3A_666 = arith.constant 16 : i32
      %add3A_667 = arith.addi %multiple_of3A_658, %add3A_666 : i32
      %get3A_668 = arith.constant 0 : i32
      %get3A_669 = tpu.memref_slice %arg7[%add3A_660, %get3A_668] : memref<512x128xf32, #tpu.memory_space<vmem>> -> memref<1x128xf32, #tpu.memory_space<vmem>>
      %get3A_670 = tpu.memref_squeeze %get3A_669 : memref<1x128xf32, #tpu.memory_space<vmem>> -> memref<128xf32, #tpu.memory_space<vmem>>
      %get3A_671 = arith.index_cast %add3A_667 : i32 to index
      %get3A_672 = tpu.vector_load %get3A_670[%get3A_671] {strides = array<i32>} : memref<128xf32, #tpu.memory_space<vmem>>, vector<16xf32>,
      %add3A_673 = arith.constant 2 : i32
      %add3A_674 = arith.addi %add3A_598, %add3A_673 : i32
      %broadcast_in_dim3A_675 = vector.broadcast %add3A_674 : i32 to vector<16xi32>
      tpu.vector_store_idx %arg8[%iota3A, %broadcast_in_dim3A_675], %get3A_665 : memref<32x512xf32, #tpu.memory_space<vmem>>[vector<16xi32>, vector<16xi32>], vector<16xf32>,
      tpu.vector_store_idx %arg8[%add3A_5, %broadcast_in_dim3A_675], %get3A_672 : memref<32x512xf32, #tpu.memory_space<vmem>>[vector<16xi32>, vector<16xi32>], vector<16xf32>,
      %slice3A_676 = vector.extract_strided_slice %get3A_600 {offsets = [3], sizes = [1], strides = [1]} : vector<16xi32> to vector<1xi32>
      %squeeze3A_677 = vector.extract %slice3A_676[0] : i32 from vector<1xi32>
      %shift_right_arithmetic3A_678 = arith.constant 7 : i32
      %shift_right_arithmetic3A_679 = arith.shrsi %squeeze3A_677, %shift_right_arithmetic3A_678 : i32
      %and3A_680 = arith.constant 3 : i32
      %and3A_681 = arith.andi %shift_right_arithmetic3A_679, %and3A_680 : i32
      %shift_left3A_682 = arith.constant 5 : i32
      %shift_left3A_683 = arith.shli %and3A_681, %shift_left3A_682 : i32
      %multiple_of3A_684 = tpu.assume_multiple %shift_left3A_683, 32 : i32
      %add3A_685 = arith.constant 3 : i32
      %add3A_686 = arith.addi %add3A_598, %add3A_685 : i32
      %get3A_687 = arith.constant 0 : i32
      %get3A_688 = tpu.memref_slice %arg7[%add3A_686, %get3A_687] : memref<512x128xf32, #tpu.memory_space<vmem>> -> memref<1x128xf32, #tpu.memory_space<vmem>>
      %get3A_689 = tpu.memref_squeeze %get3A_688 : memref<1x128xf32, #tpu.memory_space<vmem>> -> memref<128xf32, #tpu.memory_space<vmem>>
      %get3A_690 = arith.index_cast %multiple_of3A_684 : i32 to index
      %get3A_691 = tpu.vector_load %get3A_689[%get3A_690] {strides = array<i32>} : memref<128xf32, #tpu.memory_space<vmem>>, vector<16xf32>,
      %add3A_692 = arith.constant 16 : i32
      %add3A_693 = arith.addi %multiple_of3A_684, %add3A_692 : i32
      %get3A_694 = arith.constant 0 : i32
      %get3A_695 = tpu.memref_slice %arg7[%add3A_686, %get3A_694] : memref<512x128xf32, #tpu.memory_space<vmem>> -> memref<1x128xf32, #tpu.memory_space<vmem>>
      %get3A_696 = tpu.memref_squeeze %get3A_695 : memref<1x128xf32, #tpu.memory_space<vmem>> -> memref<128xf32, #tpu.memory_space<vmem>>
      %get3A_697 = arith.index_cast %add3A_693 : i32 to index
      %get3A_698 = tpu.vector_load %get3A_696[%get3A_697] {strides = array<i32>} : memref<128xf32, #tpu.memory_space<vmem>>, vector<16xf32>,
      %add3A_699 = arith.constant 3 : i32
      %add3A_700 = arith.addi %add3A_598, %add3A_699 : i32
      %broadcast_in_dim3A_701 = vector.broadcast %add3A_700 : i32 to vector<16xi32>
      tpu.vector_store_idx %arg8[%iota3A, %broadcast_in_dim3A_701], %get3A_691 : memref<32x512xf32, #tpu.memory_space<vmem>>[vector<16xi32>, vector<16xi32>], vector<16xf32>,
      tpu.vector_store_idx %arg8[%add3A_5, %broadcast_in_dim3A_701], %get3A_698 : memref<32x512xf32, #tpu.memory_space<vmem>>[vector<16xi32>, vector<16xi32>], vector<16xf32>,
      %slice3A_702 = vector.extract_strided_slice %get3A_600 {offsets = [4], sizes = [1], strides = [1]} : vector<16xi32> to vector<1xi32>
      %squeeze3A_703 = vector.extract %slice3A_702[0] : i32 from vector<1xi32>
      %shift_right_arithmetic3A_704 = arith.constant 7 : i32
      %shift_right_arithmetic3A_705 = arith.shrsi %squeeze3A_703, %shift_right_arithmetic3A_704 : i32
      %and3A_706 = arith.constant 3 : i32
      %and3A_707 = arith.andi %shift_right_arithmetic3A_705, %and3A_706 : i32
      %shift_left3A_708 = arith.constant 5 : i32
      %shift_left3A_709 = arith.shli %and3A_707, %shift_left3A_708 : i32
      %multiple_of3A_710 = tpu.assume_multiple %shift_left3A_709, 32 : i32
      %add3A_711 = arith.constant 4 : i32
      %add3A_712 = arith.addi %add3A_598, %add3A_711 : i32
      %get3A_713 = arith.constant 0 : i32
      %get3A_714 = tpu.memref_slice %arg7[%add3A_712, %get3A_713] : memref<512x128xf32, #tpu.memory_space<vmem>> -> memref<1x128xf32, #tpu.memory_space<vmem>>
      %get3A_715 = tpu.memref_squeeze %get3A_714 : memref<1x128xf32, #tpu.memory_space<vmem>> -> memref<128xf32, #tpu.memory_space<vmem>>
      %get3A_716 = arith.index_cast %multiple_of3A_710 : i32 to index
      %get3A_717 = tpu.vector_load %get3A_715[%get3A_716] {strides = array<i32>} : memref<128xf32, #tpu.memory_space<vmem>>, vector<16xf32>,
      %add3A_718 = arith.constant 16 : i32
      %add3A_719 = arith.addi %multiple_of3A_710, %add3A_718 : i32
      %get3A_720 = arith.constant 0 : i32
      %get3A_721 = tpu.memref_slice %arg7[%add3A_712, %get3A_720] : memref<512x128xf32, #tpu.memory_space<vmem>> -> memref<1x128xf32, #tpu.memory_space<vmem>>
      %get3A_722 = tpu.memref_squeeze %get3A_721 : memref<1x128xf32, #tpu.memory_space<vmem>> -> memref<128xf32, #tpu.memory_space<vmem>>
      %get3A_723 = arith.index_cast %add3A_719 : i32 to index
      %get3A_724 = tpu.vector_load %get3A_722[%get3A_723] {strides = array<i32>} : memref<128xf32, #tpu.memory_space<vmem>>, vector<16xf32>,
      %add3A_725 = arith.constant 4 : i32
      %add3A_726 = arith.addi %add3A_598, %add3A_725 : i32
      %broadcast_in_dim3A_727 = vector.broadcast %add3A_726 : i32 to vector<16xi32>
      tpu.vector_store_idx %arg8[%iota3A, %broadcast_in_dim3A_727], %get3A_717 : memref<32x512xf32, #tpu.memory_space<vmem>>[vector<16xi32>, vector<16xi32>], vector<16xf32>,
      tpu.vector_store_idx %arg8[%add3A_5, %broadcast_in_dim3A_727], %get3A_724 : memref<32x512xf32, #tpu.memory_space<vmem>>[vector<16xi32>, vector<16xi32>], vector<16xf32>,
      %slice3A_728 = vector.extract_strided_slice %get3A_600 {offsets = [5], sizes = [1], strides = [1]} : vector<16xi32> to vector<1xi32>
      %squeeze3A_729 = vector.extract %slice3A_728[0] : i32 from vector<1xi32>
      %shift_right_arithmetic3A_730 = arith.constant 7 : i32
      %shift_right_arithmetic3A_731 = arith.shrsi %squeeze3A_729, %shift_right_arithmetic3A_730 : i32
      %and3A_732 = arith.constant 3 : i32
      %and3A_733 = arith.andi %shift_right_arithmetic3A_731, %and3A_732 : i32
      %shift_left3A_734 = arith.constant 5 : i32
      %shift_left3A_735 = arith.shli %and3A_733, %shift_left3A_734 : i32
      %multiple_of3A_736 = tpu.assume_multiple %shift_left3A_735, 32 : i32
      %add3A_737 = arith.constant 5 : i32
      %add3A_738 = arith.addi %add3A_598, %add3A_737 : i32
      %get3A_739 = arith.constant 0 : i32
      %get3A_740 = tpu.memref_slice %arg7[%add3A_738, %get3A_739] : memref<512x128xf32, #tpu.memory_space<vmem>> -> memref<1x128xf32, #tpu.memory_space<vmem>>
      %get3A_741 = tpu.memref_squeeze %get3A_740 : memref<1x128xf32, #tpu.memory_space<vmem>> -> memref<128xf32, #tpu.memory_space<vmem>>
      %get3A_742 = arith.index_cast %multiple_of3A_736 : i32 to index
      %get3A_743 = tpu.vector_load %get3A_741[%get3A_742] {strides = array<i32>} : memref<128xf32, #tpu.memory_space<vmem>>, vector<16xf32>,
      %add3A_744 = arith.constant 16 : i32
      %add3A_745 = arith.addi %multiple_of3A_736, %add3A_744 : i32
      %get3A_746 = arith.constant 0 : i32
      %get3A_747 = tpu.memref_slice %arg7[%add3A_738, %get3A_746] : memref<512x128xf32, #tpu.memory_space<vmem>> -> memref<1x128xf32, #tpu.memory_space<vmem>>
      %get3A_748 = tpu.memref_squeeze %get3A_747 : memref<1x128xf32, #tpu.memory_space<vmem>> -> memref<128xf32, #tpu.memory_space<vmem>>
      %get3A_749 = arith.index_cast %add3A_745 : i32 to index
      %get3A_750 = tpu.vector_load %get3A_748[%get3A_749] {strides = array<i32>} : memref<128xf32, #tpu.memory_space<vmem>>, vector<16xf32>,
      %add3A_751 = arith.constant 5 : i32
      %add3A_752 = arith.addi %add3A_598, %add3A_751 : i32
      %broadcast_in_dim3A_753 = vector.broadcast %add3A_752 : i32 to vector<16xi32>
      tpu.vector_store_idx %arg8[%iota3A, %broadcast_in_dim3A_753], %get3A_743 : memref<32x512xf32, #tpu.memory_space<vmem>>[vector<16xi32>, vector<16xi32>], vector<16xf32>,
      tpu.vector_store_idx %arg8[%add3A_5, %broadcast_in_dim3A_753], %get3A_750 : memref<32x512xf32, #tpu.memory_space<vmem>>[vector<16xi32>, vector<16xi32>], vector<16xf32>,
      %slice3A_754 = vector.extract_strided_slice %get3A_600 {offsets = [6], sizes = [1], strides = [1]} : vector<16xi32> to vector<1xi32>
      %squeeze3A_755 = vector.extract %slice3A_754[0] : i32 from vector<1xi32>
      %shift_right_arithmetic3A_756 = arith.constant 7 : i32
      %shift_right_arithmetic3A_757 = arith.shrsi %squeeze3A_755, %shift_right_arithmetic3A_756 : i32
      %and3A_758 = arith.constant 3 : i32
      %and3A_759 = arith.andi %shift_right_arithmetic3A_757, %and3A_758 : i32
      %shift_left3A_760 = arith.constant 5 : i32
      %shift_left3A_761 = arith.shli %and3A_759, %shift_left3A_760 : i32
      %multiple_of3A_762 = tpu.assume_multiple %shift_left3A_761, 32 : i32
      %add3A_763 = arith.constant 6 : i32
      %add3A_764 = arith.addi %add3A_598, %add3A_763 : i32
      %get3A_765 = arith.constant 0 : i32
      %get3A_766 = tpu.memref_slice %arg7[%add3A_764, %get3A_765] : memref<512x128xf32, #tpu.memory_space<vmem>> -> memref<1x128xf32, #tpu.memory_space<vmem>>
      %get3A_767 = tpu.memref_squeeze %get3A_766 : memref<1x128xf32, #tpu.memory_space<vmem>> -> memref<128xf32, #tpu.memory_space<vmem>>
      %get3A_768 = arith.index_cast %multiple_of3A_762 : i32 to index
      %get3A_769 = tpu.vector_load %get3A_767[%get3A_768] {strides = array<i32>} : memref<128xf32, #tpu.memory_space<vmem>>, vector<16xf32>,
      %add3A_770 = arith.constant 16 : i32
      %add3A_771 = arith.addi %multiple_of3A_762, %add3A_770 : i32
      %get3A_772 = arith.constant 0 : i32
      %get3A_773 = tpu.memref_slice %arg7[%add3A_764, %get3A_772] : memref<512x128xf32, #tpu.memory_space<vmem>> -> memref<1x128xf32, #tpu.memory_space<vmem>>
      %get3A_774 = tpu.memref_squeeze %get3A_773 : memref<1x128xf32, #tpu.memory_space<vmem>> -> memref<128xf32, #tpu.memory_space<vmem>>
      %get3A_775 = arith.index_cast %add3A_771 : i32 to index
      %get3A_776 = tpu.vector_load %get3A_774[%get3A_775] {strides = array<i32>} : memref<128xf32, #tpu.memory_space<vmem>>, vector<16xf32>,
      %add3A_777 = arith.constant 6 : i32
      %add3A_778 = arith.addi %add3A_598, %add3A_777 : i32
      %broadcast_in_dim3A_779 = vector.broadcast %add3A_778 : i32 to vector<16xi32>
      tpu.vector_store_idx %arg8[%iota3A, %broadcast_in_dim3A_779], %get3A_769 : memref<32x512xf32, #tpu.memory_space<vmem>>[vector<16xi32>, vector<16xi32>], vector<16xf32>,
      tpu.vector_store_idx %arg8[%add3A_5, %broadcast_in_dim3A_779], %get3A_776 : memref<32x512xf32, #tpu.memory_space<vmem>>[vector<16xi32>, vector<16xi32>], vector<16xf32>,
      %slice3A_780 = vector.extract_strided_slice %get3A_600 {offsets = [7], sizes = [1], strides = [1]} : vector<16xi32> to vector<1xi32>
      %squeeze3A_781 = vector.extract %slice3A_780[0] : i32 from vector<1xi32>
      %shift_right_arithmetic3A_782 = arith.constant 7 : i32
      %shift_right_arithmetic3A_783 = arith.shrsi %squeeze3A_781, %shift_right_arithmetic3A_782 : i32
      %and3A_784 = arith.constant 3 : i32
      %and3A_785 = arith.andi %shift_right_arithmetic3A_783, %and3A_784 : i32
      %shift_left3A_786 = arith.constant 5 : i32
      %shift_left3A_787 = arith.shli %and3A_785, %shift_left3A_786 : i32
      %multiple_of3A_788 = tpu.assume_multiple %shift_left3A_787, 32 : i32
      %add3A_789 = arith.constant 7 : i32
      %add3A_790 = arith.addi %add3A_598, %add3A_789 : i32
      %get3A_791 = arith.constant 0 : i32
      %get3A_792 = tpu.memref_slice %arg7[%add3A_790, %get3A_791] : memref<512x128xf32, #tpu.memory_space<vmem>> -> memref<1x128xf32, #tpu.memory_space<vmem>>
      %get3A_793 = tpu.memref_squeeze %get3A_792 : memref<1x128xf32, #tpu.memory_space<vmem>> -> memref<128xf32, #tpu.memory_space<vmem>>
      %get3A_794 = arith.index_cast %multiple_of3A_788 : i32 to index
      %get3A_795 = tpu.vector_load %get3A_793[%get3A_794] {strides = array<i32>} : memref<128xf32, #tpu.memory_space<vmem>>, vector<16xf32>,
      %add3A_796 = arith.constant 16 : i32
      %add3A_797 = arith.addi %multiple_of3A_788, %add3A_796 : i32
      %get3A_798 = arith.constant 0 : i32
      %get3A_799 = tpu.memref_slice %arg7[%add3A_790, %get3A_798] : memref<512x128xf32, #tpu.memory_space<vmem>> -> memref<1x128xf32, #tpu.memory_space<vmem>>
      %get3A_800 = tpu.memref_squeeze %get3A_799 : memref<1x128xf32, #tpu.memory_space<vmem>> -> memref<128xf32, #tpu.memory_space<vmem>>
      %get3A_801 = arith.index_cast %add3A_797 : i32 to index
      %get3A_802 = tpu.vector_load %get3A_800[%get3A_801] {strides = array<i32>} : memref<128xf32, #tpu.memory_space<vmem>>, vector<16xf32>,
      %add3A_803 = arith.constant 7 : i32
      %add3A_804 = arith.addi %add3A_598, %add3A_803 : i32
      %broadcast_in_dim3A_805 = vector.broadcast %add3A_804 : i32 to vector<16xi32>
      tpu.vector_store_idx %arg8[%iota3A, %broadcast_in_dim3A_805], %get3A_795 : memref<32x512xf32, #tpu.memory_space<vmem>>[vector<16xi32>, vector<16xi32>], vector<16xf32>,
      tpu.vector_store_idx %arg8[%add3A_5, %broadcast_in_dim3A_805], %get3A_802 : memref<32x512xf32, #tpu.memory_space<vmem>>[vector<16xi32>, vector<16xi32>], vector<16xf32>,
      %slice3A_806 = vector.extract_strided_slice %get3A_600 {offsets = [8], sizes = [1], strides = [1]} : vector<16xi32> to vector<1xi32>
      %squeeze3A_807 = vector.extract %slice3A_806[0] : i32 from vector<1xi32>
      %shift_right_arithmetic3A_808 = arith.constant 7 : i32
      %shift_right_arithmetic3A_809 = arith.shrsi %squeeze3A_807, %shift_right_arithmetic3A_808 : i32
      %and3A_810 = arith.constant 3 : i32
      %and3A_811 = arith.andi %shift_right_arithmetic3A_809, %and3A_810 : i32
      %shift_left3A_812 = arith.constant 5 : i32
      %shift_left3A_813 = arith.shli %and3A_811, %shift_left3A_812 : i32
      %multiple_of3A_814 = tpu.assume_multiple %shift_left3A_813, 32 : i32
      %add3A_815 = arith.constant 8 : i32
      %add3A_816 = arith.addi %add3A_598, %add3A_815 : i32
      %get3A_817 = arith.constant 0 : i32
      %get3A_818 = tpu.memref_slice %arg7[%add3A_816, %get3A_817] : memref<512x128xf32, #tpu.memory_space<vmem>> -> memref<1x128xf32, #tpu.memory_space<vmem>>
      %get3A_819 = tpu.memref_squeeze %get3A_818 : memref<1x128xf32, #tpu.memory_space<vmem>> -> memref<128xf32, #tpu.memory_space<vmem>>
      %get3A_820 = arith.index_cast %multiple_of3A_814 : i32 to index
      %get3A_821 = tpu.vector_load %get3A_819[%get3A_820] {strides = array<i32>} : memref<128xf32, #tpu.memory_space<vmem>>, vector<16xf32>,
      %add3A_822 = arith.constant 16 : i32
      %add3A_823 = arith.addi %multiple_of3A_814, %add3A_822 : i32
      %get3A_824 = arith.constant 0 : i32
      %get3A_825 = tpu.memref_slice %arg7[%add3A_816, %get3A_824] : memref<512x128xf32, #tpu.memory_space<vmem>> -> memref<1x128xf32, #tpu.memory_space<vmem>>
      %get3A_826 = tpu.memref_squeeze %get3A_825 : memref<1x128xf32, #tpu.memory_space<vmem>> -> memref<128xf32, #tpu.memory_space<vmem>>
      %get3A_827 = arith.index_cast %add3A_823 : i32 to index
      %get3A_828 = tpu.vector_load %get3A_826[%get3A_827] {strides = array<i32>} : memref<128xf32, #tpu.memory_space<vmem>>, vector<16xf32>,
      %add3A_829 = arith.constant 8 : i32
      %add3A_830 = arith.addi %add3A_598, %add3A_829 : i32
      %broadcast_in_dim3A_831 = vector.broadcast %add3A_830 : i32 to vector<16xi32>
      tpu.vector_store_idx %arg8[%iota3A, %broadcast_in_dim3A_831], %get3A_821 : memref<32x512xf32, #tpu.memory_space<vmem>>[vector<16xi32>, vector<16xi32>], vector<16xf32>,
      tpu.vector_store_idx %arg8[%add3A_5, %broadcast_in_dim3A_831], %get3A_828 : memref<32x512xf32, #tpu.memory_space<vmem>>[vector<16xi32>, vector<16xi32>], vector<16xf32>,
      %slice3A_832 = vector.extract_strided_slice %get3A_600 {offsets = [9], sizes = [1], strides = [1]} : vector<16xi32> to vector<1xi32>
      %squeeze3A_833 = vector.extract %slice3A_832[0] : i32 from vector<1xi32>
      %shift_right_arithmetic3A_834 = arith.constant 7 : i32
      %shift_right_arithmetic3A_835 = arith.shrsi %squeeze3A_833, %shift_right_arithmetic3A_834 : i32
      %and3A_836 = arith.constant 3 : i32
      %and3A_837 = arith.andi %shift_right_arithmetic3A_835, %and3A_836 : i32
      %shift_left3A_838 = arith.constant 5 : i32
      %shift_left3A_839 = arith.shli %and3A_837, %shift_left3A_838 : i32
      %multiple_of3A_840 = tpu.assume_multiple %shift_left3A_839, 32 : i32
      %add3A_841 = arith.constant 9 : i32
      %add3A_842 = arith.addi %add3A_598, %add3A_841 : i32
      %get3A_843 = arith.constant 0 : i32
      %get3A_844 = tpu.memref_slice %arg7[%add3A_842, %get3A_843] : memref<512x128xf32, #tpu.memory_space<vmem>> -> memref<1x128xf32, #tpu.memory_space<vmem>>
      %get3A_845 = tpu.memref_squeeze %get3A_844 : memref<1x128xf32, #tpu.memory_space<vmem>> -> memref<128xf32, #tpu.memory_space<vmem>>
      %get3A_846 = arith.index_cast %multiple_of3A_840 : i32 to index
      %get3A_847 = tpu.vector_load %get3A_845[%get3A_846] {strides = array<i32>} : memref<128xf32, #tpu.memory_space<vmem>>, vector<16xf32>,
      %add3A_848 = arith.constant 16 : i32
      %add3A_849 = arith.addi %multiple_of3A_840, %add3A_848 : i32
      %get3A_850 = arith.constant 0 : i32
      %get3A_851 = tpu.memref_slice %arg7[%add3A_842, %get3A_850] : memref<512x128xf32, #tpu.memory_space<vmem>> -> memref<1x128xf32, #tpu.memory_space<vmem>>
      %get3A_852 = tpu.memref_squeeze %get3A_851 : memref<1x128xf32, #tpu.memory_space<vmem>> -> memref<128xf32, #tpu.memory_space<vmem>>
      %get3A_853 = arith.index_cast %add3A_849 : i32 to index
      %get3A_854 = tpu.vector_load %get3A_852[%get3A_853] {strides = array<i32>} : memref<128xf32, #tpu.memory_space<vmem>>, vector<16xf32>,
      %add3A_855 = arith.constant 9 : i32
      %add3A_856 = arith.addi %add3A_598, %add3A_855 : i32
      %broadcast_in_dim3A_857 = vector.broadcast %add3A_856 : i32 to vector<16xi32>
      tpu.vector_store_idx %arg8[%iota3A, %broadcast_in_dim3A_857], %get3A_847 : memref<32x512xf32, #tpu.memory_space<vmem>>[vector<16xi32>, vector<16xi32>], vector<16xf32>,
      tpu.vector_store_idx %arg8[%add3A_5, %broadcast_in_dim3A_857], %get3A_854 : memref<32x512xf32, #tpu.memory_space<vmem>>[vector<16xi32>, vector<16xi32>], vector<16xf32>,
      %slice3A_858 = vector.extract_strided_slice %get3A_600 {offsets = [10], sizes = [1], strides = [1]} : vector<16xi32> to vector<1xi32>
      %squeeze3A_859 = vector.extract %slice3A_858[0] : i32 from vector<1xi32>
      %shift_right_arithmetic3A_860 = arith.constant 7 : i32
      %shift_right_arithmetic3A_861 = arith.shrsi %squeeze3A_859, %shift_right_arithmetic3A_860 : i32
      %and3A_862 = arith.constant 3 : i32
      %and3A_863 = arith.andi %shift_right_arithmetic3A_861, %and3A_862 : i32
      %shift_left3A_864 = arith.constant 5 : i32
      %shift_left3A_865 = arith.shli %and3A_863, %shift_left3A_864 : i32
      %multiple_of3A_866 = tpu.assume_multiple %shift_left3A_865, 32 : i32
      %add3A_867 = arith.constant 10 : i32
      %add3A_868 = arith.addi %add3A_598, %add3A_867 : i32
      %get3A_869 = arith.constant 0 : i32
      %get3A_870 = tpu.memref_slice %arg7[%add3A_868, %get3A_869] : memref<512x128xf32, #tpu.memory_space<vmem>> -> memref<1x128xf32, #tpu.memory_space<vmem>>
      %get3A_871 = tpu.memref_squeeze %get3A_870 : memref<1x128xf32, #tpu.memory_space<vmem>> -> memref<128xf32, #tpu.memory_space<vmem>>
      %get3A_872 = arith.index_cast %multiple_of3A_866 : i32 to index
      %get3A_873 = tpu.vector_load %get3A_871[%get3A_872] {strides = array<i32>} : memref<128xf32, #tpu.memory_space<vmem>>, vector<16xf32>,
      %add3A_874 = arith.constant 16 : i32
      %add3A_875 = arith.addi %multiple_of3A_866, %add3A_874 : i32
      %get3A_876 = arith.constant 0 : i32
      %get3A_877 = tpu.memref_slice %arg7[%add3A_868, %get3A_876] : memref<512x128xf32, #tpu.memory_space<vmem>> -> memref<1x128xf32, #tpu.memory_space<vmem>>
      %get3A_878 = tpu.memref_squeeze %get3A_877 : memref<1x128xf32, #tpu.memory_space<vmem>> -> memref<128xf32, #tpu.memory_space<vmem>>
      %get3A_879 = arith.index_cast %add3A_875 : i32 to index
      %get3A_880 = tpu.vector_load %get3A_878[%get3A_879] {strides = array<i32>} : memref<128xf32, #tpu.memory_space<vmem>>, vector<16xf32>,
      %add3A_881 = arith.constant 10 : i32
      %add3A_882 = arith.addi %add3A_598, %add3A_881 : i32
      %broadcast_in_dim3A_883 = vector.broadcast %add3A_882 : i32 to vector<16xi32>
      tpu.vector_store_idx %arg8[%iota3A, %broadcast_in_dim3A_883], %get3A_873 : memref<32x512xf32, #tpu.memory_space<vmem>>[vector<16xi32>, vector<16xi32>], vector<16xf32>,
      tpu.vector_store_idx %arg8[%add3A_5, %broadcast_in_dim3A_883], %get3A_880 : memref<32x512xf32, #tpu.memory_space<vmem>>[vector<16xi32>, vector<16xi32>], vector<16xf32>,
      %slice3A_884 = vector.extract_strided_slice %get3A_600 {offsets = [11], sizes = [1], strides = [1]} : vector<16xi32> to vector<1xi32>
      %squeeze3A_885 = vector.extract %slice3A_884[0] : i32 from vector<1xi32>
      %shift_right_arithmetic3A_886 = arith.constant 7 : i32
      %shift_right_arithmetic3A_887 = arith.shrsi %squeeze3A_885, %shift_right_arithmetic3A_886 : i32
      %and3A_888 = arith.constant 3 : i32
      %and3A_889 = arith.andi %shift_right_arithmetic3A_887, %and3A_888 : i32
      %shift_left3A_890 = arith.constant 5 : i32
      %shift_left3A_891 = arith.shli %and3A_889, %shift_left3A_890 : i32
      %multiple_of3A_892 = tpu.assume_multiple %shift_left3A_891, 32 : i32
      %add3A_893 = arith.constant 11 : i32
      %add3A_894 = arith.addi %add3A_598, %add3A_893 : i32
      %get3A_895 = arith.constant 0 : i32
      %get3A_896 = tpu.memref_slice %arg7[%add3A_894, %get3A_895] : memref<512x128xf32, #tpu.memory_space<vmem>> -> memref<1x128xf32, #tpu.memory_space<vmem>>
      %get3A_897 = tpu.memref_squeeze %get3A_896 : memref<1x128xf32, #tpu.memory_space<vmem>> -> memref<128xf32, #tpu.memory_space<vmem>>
      %get3A_898 = arith.index_cast %multiple_of3A_892 : i32 to index
      %get3A_899 = tpu.vector_load %get3A_897[%get3A_898] {strides = array<i32>} : memref<128xf32, #tpu.memory_space<vmem>>, vector<16xf32>,
      %add3A_900 = arith.constant 16 : i32
      %add3A_901 = arith.addi %multiple_of3A_892, %add3A_900 : i32
      %get3A_902 = arith.constant 0 : i32
      %get3A_903 = tpu.memref_slice %arg7[%add3A_894, %get3A_902] : memref<512x128xf32, #tpu.memory_space<vmem>> -> memref<1x128xf32, #tpu.memory_space<vmem>>
      %get3A_904 = tpu.memref_squeeze %get3A_903 : memref<1x128xf32, #tpu.memory_space<vmem>> -> memref<128xf32, #tpu.memory_space<vmem>>
      %get3A_905 = arith.index_cast %add3A_901 : i32 to index
      %get3A_906 = tpu.vector_load %get3A_904[%get3A_905] {strides = array<i32>} : memref<128xf32, #tpu.memory_space<vmem>>, vector<16xf32>,
      %add3A_907 = arith.constant 11 : i32
      %add3A_908 = arith.addi %add3A_598, %add3A_907 : i32
      %broadcast_in_dim3A_909 = vector.broadcast %add3A_908 : i32 to vector<16xi32>
      tpu.vector_store_idx %arg8[%iota3A, %broadcast_in_dim3A_909], %get3A_899 : memref<32x512xf32, #tpu.memory_space<vmem>>[vector<16xi32>, vector<16xi32>], vector<16xf32>,
      tpu.vector_store_idx %arg8[%add3A_5, %broadcast_in_dim3A_909], %get3A_906 : memref<32x512xf32, #tpu.memory_space<vmem>>[vector<16xi32>, vector<16xi32>], vector<16xf32>,
      %slice3A_910 = vector.extract_strided_slice %get3A_600 {offsets = [12], sizes = [1], strides = [1]} : vector<16xi32> to vector<1xi32>
      %squeeze3A_911 = vector.extract %slice3A_910[0] : i32 from vector<1xi32>
      %shift_right_arithmetic3A_912 = arith.constant 7 : i32
      %shift_right_arithmetic3A_913 = arith.shrsi %squeeze3A_911, %shift_right_arithmetic3A_912 : i32
      %and3A_914 = arith.constant 3 : i32
      %and3A_915 = arith.andi %shift_right_arithmetic3A_913, %and3A_914 : i32
      %shift_left3A_916 = arith.constant 5 : i32
      %shift_left3A_917 = arith.shli %and3A_915, %shift_left3A_916 : i32
      %multiple_of3A_918 = tpu.assume_multiple %shift_left3A_917, 32 : i32
      %add3A_919 = arith.constant 12 : i32
      %add3A_920 = arith.addi %add3A_598, %add3A_919 : i32
      %get3A_921 = arith.constant 0 : i32
      %get3A_922 = tpu.memref_slice %arg7[%add3A_920, %get3A_921] : memref<512x128xf32, #tpu.memory_space<vmem>> -> memref<1x128xf32, #tpu.memory_space<vmem>>
      %get3A_923 = tpu.memref_squeeze %get3A_922 : memref<1x128xf32, #tpu.memory_space<vmem>> -> memref<128xf32, #tpu.memory_space<vmem>>
      %get3A_924 = arith.index_cast %multiple_of3A_918 : i32 to index
      %get3A_925 = tpu.vector_load %get3A_923[%get3A_924] {strides = array<i32>} : memref<128xf32, #tpu.memory_space<vmem>>, vector<16xf32>,
      %add3A_926 = arith.constant 16 : i32
      %add3A_927 = arith.addi %multiple_of3A_918, %add3A_926 : i32
      %get3A_928 = arith.constant 0 : i32
      %get3A_929 = tpu.memref_slice %arg7[%add3A_920, %get3A_928] : memref<512x128xf32, #tpu.memory_space<vmem>> -> memref<1x128xf32, #tpu.memory_space<vmem>>
      %get3A_930 = tpu.memref_squeeze %get3A_929 : memref<1x128xf32, #tpu.memory_space<vmem>> -> memref<128xf32, #tpu.memory_space<vmem>>
      %get3A_931 = arith.index_cast %add3A_927 : i32 to index
      %get3A_932 = tpu.vector_load %get3A_930[%get3A_931] {strides = array<i32>} : memref<128xf32, #tpu.memory_space<vmem>>, vector<16xf32>,
      %add3A_933 = arith.constant 12 : i32
      %add3A_934 = arith.addi %add3A_598, %add3A_933 : i32
      %broadcast_in_dim3A_935 = vector.broadcast %add3A_934 : i32 to vector<16xi32>
      tpu.vector_store_idx %arg8[%iota3A, %broadcast_in_dim3A_935], %get3A_925 : memref<32x512xf32, #tpu.memory_space<vmem>>[vector<16xi32>, vector<16xi32>], vector<16xf32>,
      tpu.vector_store_idx %arg8[%add3A_5, %broadcast_in_dim3A_935], %get3A_932 : memref<32x512xf32, #tpu.memory_space<vmem>>[vector<16xi32>, vector<16xi32>], vector<16xf32>,
      %slice3A_936 = vector.extract_strided_slice %get3A_600 {offsets = [13], sizes = [1], strides = [1]} : vector<16xi32> to vector<1xi32>
      %squeeze3A_937 = vector.extract %slice3A_936[0] : i32 from vector<1xi32>
      %shift_right_arithmetic3A_938 = arith.constant 7 : i32
      %shift_right_arithmetic3A_939 = arith.shrsi %squeeze3A_937, %shift_right_arithmetic3A_938 : i32
      %and3A_940 = arith.constant 3 : i32
      %and3A_941 = arith.andi %shift_right_arithmetic3A_939, %and3A_940 : i32
      %shift_left3A_942 = arith.constant 5 : i32
      %shift_left3A_943 = arith.shli %and3A_941, %shift_left3A_942 : i32
      %multiple_of3A_944 = tpu.assume_multiple %shift_left3A_943, 32 : i32
      %add3A_945 = arith.constant 13 : i32
      %add3A_946 = arith.addi %add3A_598, %add3A_945 : i32
      %get3A_947 = arith.constant 0 : i32
      %get3A_948 = tpu.memref_slice %arg7[%add3A_946, %get3A_947] : memref<512x128xf32, #tpu.memory_space<vmem>> -> memref<1x128xf32, #tpu.memory_space<vmem>>
      %get3A_949 = tpu.memref_squeeze %get3A_948 : memref<1x128xf32, #tpu.memory_space<vmem>> -> memref<128xf32, #tpu.memory_space<vmem>>
      %get3A_950 = arith.index_cast %multiple_of3A_944 : i32 to index
      %get3A_951 = tpu.vector_load %get3A_949[%get3A_950] {strides = array<i32>} : memref<128xf32, #tpu.memory_space<vmem>>, vector<16xf32>,
      %add3A_952 = arith.constant 16 : i32
      %add3A_953 = arith.addi %multiple_of3A_944, %add3A_952 : i32
      %get3A_954 = arith.constant 0 : i32
      %get3A_955 = tpu.memref_slice %arg7[%add3A_946, %get3A_954] : memref<512x128xf32, #tpu.memory_space<vmem>> -> memref<1x128xf32, #tpu.memory_space<vmem>>
      %get3A_956 = tpu.memref_squeeze %get3A_955 : memref<1x128xf32, #tpu.memory_space<vmem>> -> memref<128xf32, #tpu.memory_space<vmem>>
      %get3A_957 = arith.index_cast %add3A_953 : i32 to index
      %get3A_958 = tpu.vector_load %get3A_956[%get3A_957] {strides = array<i32>} : memref<128xf32, #tpu.memory_space<vmem>>, vector<16xf32>,
      %add3A_959 = arith.constant 13 : i32
      %add3A_960 = arith.addi %add3A_598, %add3A_959 : i32
      %broadcast_in_dim3A_961 = vector.broadcast %add3A_960 : i32 to vector<16xi32>
      tpu.vector_store_idx %arg8[%iota3A, %broadcast_in_dim3A_961], %get3A_951 : memref<32x512xf32, #tpu.memory_space<vmem>>[vector<16xi32>, vector<16xi32>], vector<16xf32>,
      tpu.vector_store_idx %arg8[%add3A_5, %broadcast_in_dim3A_961], %get3A_958 : memref<32x512xf32, #tpu.memory_space<vmem>>[vector<16xi32>, vector<16xi32>], vector<16xf32>,
      %slice3A_962 = vector.extract_strided_slice %get3A_600 {offsets = [14], sizes = [1], strides = [1]} : vector<16xi32> to vector<1xi32>
      %squeeze3A_963 = vector.extract %slice3A_962[0] : i32 from vector<1xi32>
      %shift_right_arithmetic3A_964 = arith.constant 7 : i32
      %shift_right_arithmetic3A_965 = arith.shrsi %squeeze3A_963, %shift_right_arithmetic3A_964 : i32
      %and3A_966 = arith.constant 3 : i32
      %and3A_967 = arith.andi %shift_right_arithmetic3A_965, %and3A_966 : i32
      %shift_left3A_968 = arith.constant 5 : i32
      %shift_left3A_969 = arith.shli %and3A_967, %shift_left3A_968 : i32
      %multiple_of3A_970 = tpu.assume_multiple %shift_left3A_969, 32 : i32
      %add3A_971 = arith.constant 14 : i32
      %add3A_972 = arith.addi %add3A_598, %add3A_971 : i32
      %get3A_973 = arith.constant 0 : i32
      %get3A_974 = tpu.memref_slice %arg7[%add3A_972, %get3A_973] : memref<512x128xf32, #tpu.memory_space<vmem>> -> memref<1x128xf32, #tpu.memory_space<vmem>>
      %get3A_975 = tpu.memref_squeeze %get3A_974 : memref<1x128xf32, #tpu.memory_space<vmem>> -> memref<128xf32, #tpu.memory_space<vmem>>
      %get3A_976 = arith.index_cast %multiple_of3A_970 : i32 to index
      %get3A_977 = tpu.vector_load %get3A_975[%get3A_976] {strides = array<i32>} : memref<128xf32, #tpu.memory_space<vmem>>, vector<16xf32>,
      %add3A_978 = arith.constant 16 : i32
      %add3A_979 = arith.addi %multiple_of3A_970, %add3A_978 : i32
      %get3A_980 = arith.constant 0 : i32
      %get3A_981 = tpu.memref_slice %arg7[%add3A_972, %get3A_980] : memref<512x128xf32, #tpu.memory_space<vmem>> -> memref<1x128xf32, #tpu.memory_space<vmem>>
      %get3A_982 = tpu.memref_squeeze %get3A_981 : memref<1x128xf32, #tpu.memory_space<vmem>> -> memref<128xf32, #tpu.memory_space<vmem>>
      %get3A_983 = arith.index_cast %add3A_979 : i32 to index
      %get3A_984 = tpu.vector_load %get3A_982[%get3A_983] {strides = array<i32>} : memref<128xf32, #tpu.memory_space<vmem>>, vector<16xf32>,
      %add3A_985 = arith.constant 14 : i32
      %add3A_986 = arith.addi %add3A_598, %add3A_985 : i32
      %broadcast_in_dim3A_987 = vector.broadcast %add3A_986 : i32 to vector<16xi32>
      tpu.vector_store_idx %arg8[%iota3A, %broadcast_in_dim3A_987], %get3A_977 : memref<32x512xf32, #tpu.memory_space<vmem>>[vector<16xi32>, vector<16xi32>], vector<16xf32>,
      tpu.vector_store_idx %arg8[%add3A_5, %broadcast_in_dim3A_987], %get3A_984 : memref<32x512xf32, #tpu.memory_space<vmem>>[vector<16xi32>, vector<16xi32>], vector<16xf32>,
      %slice3A_988 = vector.extract_strided_slice %get3A_600 {offsets = [15], sizes = [1], strides = [1]} : vector<16xi32> to vector<1xi32>
      %squeeze3A_989 = vector.extract %slice3A_988[0] : i32 from vector<1xi32>
      %shift_right_arithmetic3A_990 = arith.constant 7 : i32
      %shift_right_arithmetic3A_991 = arith.shrsi %squeeze3A_989, %shift_right_arithmetic3A_990 : i32
      %and3A_992 = arith.constant 3 : i32
      %and3A_993 = arith.andi %shift_right_arithmetic3A_991, %and3A_992 : i32
      %shift_left3A_994 = arith.constant 5 : i32
      %shift_left3A_995 = arith.shli %and3A_993, %shift_left3A_994 : i32
      %multiple_of3A_996 = tpu.assume_multiple %shift_left3A_995, 32 : i32
      %add3A_997 = arith.constant 15 : i32
      %add3A_998 = arith.addi %add3A_598, %add3A_997 : i32
      %get3A_999 = arith.constant 0 : i32
      %get3A_1000 = tpu.memref_slice %arg7[%add3A_998, %get3A_999] : memref<512x128xf32, #tpu.memory_space<vmem>> -> memref<1x128xf32, #tpu.memory_space<vmem>>
      %get3A_1001 = tpu.memref_squeeze %get3A_1000 : memref<1x128xf32, #tpu.memory_space<vmem>> -> memref<128xf32, #tpu.memory_space<vmem>>
      %get3A_1002 = arith.index_cast %multiple_of3A_996 : i32 to index
      %get3A_1003 = tpu.vector_load %get3A_1001[%get3A_1002] {strides = array<i32>} : memref<128xf32, #tpu.memory_space<vmem>>, vector<16xf32>,
      %add3A_1004 = arith.constant 16 : i32
      %add3A_1005 = arith.addi %multiple_of3A_996, %add3A_1004 : i32
      %get3A_1006 = arith.constant 0 : i32
      %get3A_1007 = tpu.memref_slice %arg7[%add3A_998, %get3A_1006] : memref<512x128xf32, #tpu.memory_space<vmem>> -> memref<1x128xf32, #tpu.memory_space<vmem>>
      %get3A_1008 = tpu.memref_squeeze %get3A_1007 : memref<1x128xf32, #tpu.memory_space<vmem>> -> memref<128xf32, #tpu.memory_space<vmem>>
      %get3A_1009 = arith.index_cast %add3A_1005 : i32 to index
      %get3A_1010 = tpu.vector_load %get3A_1008[%get3A_1009] {strides = array<i32>} : memref<128xf32, #tpu.memory_space<vmem>>, vector<16xf32>,
      %add3A_1011 = arith.constant 15 : i32
      %add3A_1012 = arith.addi %add3A_598, %add3A_1011 : i32
      %broadcast_in_dim3A_1013 = vector.broadcast %add3A_1012 : i32 to vector<16xi32>
      tpu.vector_store_idx %arg8[%iota3A, %broadcast_in_dim3A_1013], %get3A_1003 : memref<32x512xf32, #tpu.memory_space<vmem>>[vector<16xi32>, vector<16xi32>], vector<16xf32>,
      tpu.vector_store_idx %arg8[%add3A_5, %broadcast_in_dim3A_1013], %get3A_1010 : memref<32x512xf32, #tpu.memory_space<vmem>>[vector<16xi32>, vector<16xi32>], vector<16xf32>,
    }
    %scan3A_593 = arith.constant 32 : i32
    "tpu.region"() ({
      %run_scoped3A = tpu.sem_alloc : memref<!tpu.dma_semaphore, #tpu.memory_space<semaphore_mem>>
      %dma_start3A_594 = arith.constant 0 : i32
      %dma_start3A_595 = tpu.memref_slice %arg4[%dma_start3A_594, %multiple_of3A] : memref<32x16384xf32, #tpu.memory_space<hbm>> -> memref<32x512xf32, #tpu.memory_space<hbm>>
      %dma_start3A_596 = arith.constant 0 : i32
      %dma_start3A_597 = tpu.memref_slice %arg4[%dma_start3A_596, %multiple_of3A] : memref<32x16384xf32, #tpu.memory_space<hbm>> -> memref<32x512xf32, #tpu.memory_space<hbm>>
      tpu.enqueue_dma source(%arg8 : memref<32x512xf32, #tpu.memory_space<vmem>>) target(%dma_start3A_597 : memref<32x512xf32, #tpu.memory_space<hbm>>) target_semaphore(%run_scoped3A : memref<!tpu.dma_semaphore, #tpu.memory_space<semaphore_mem>>)
      %dma_wait3A_598 = arith.constant 0 : i32
      %dma_wait3A_599 = tpu.memref_slice %arg4[%dma_wait3A_598, %multiple_of3A] : memref<32x16384xf32, #tpu.memory_space<hbm>> -> memref<32x512xf32, #tpu.memory_space<hbm>>
      %dma_wait3A_600 = arith.constant 0 : i32
      %dma_wait3A_601 = tpu.memref_slice %arg4[%dma_wait3A_600, %multiple_of3A] : memref<32x16384xf32, #tpu.memory_space<hbm>> -> memref<32x512xf32, #tpu.memory_space<hbm>>
      tpu.wait_dma2 semaphore(%run_scoped3A : memref<!tpu.dma_semaphore, #tpu.memory_space<semaphore_mem>>) src(%arg8 : memref<32x512xf32, #tpu.memory_space<vmem>>) dst(%dma_wait3A_601 : memref<32x512xf32, #tpu.memory_space<hbm>>)
      tpu.yield
    }) : () -> ()
    return
  }
}

module attributes {stable_mosaic.version = 14 : i64} {
  func.func @tk(%arg0: i32, %arg1: memref<32x512xf32, #tpu.memory_space<vmem>>, %arg2: memref<128x128xf32, #tpu.memory_space<vmem>>) attributes {dimension_semantics = [#tpu.dimension_semantics<arbitrary>], iteration_bounds = array<i64: 1954>, scalar_prefetch = 0 : i64, scratch_operands = 0 : i64, tpu.core_type = #tpu.core_type<tc>, window_params = [{transform_indices = @transform_0, window_bounds = array<i64: 32, 512>}, {transform_indices = @transform_1, window_bounds = array<i64: 128, 128>}]} {
    %get3A = arith.constant 0 : index
    %get3A_0 = arith.constant 0 : index
    %get3A_1 = vector.load %arg1[%get3A, %get3A_0] : memref<32x512xf32, #tpu.memory_space<vmem>>, vector<32x128xf32>
    %transpose3A = tpu.transpose %get3A_1, [1, 0] : vector<32x128xf32> -> vector<128x32xf32>
    %swap3A = arith.constant 0 : index
    %swap3A_2 = arith.constant 0 : index
    %swap3A_3 = vector.load %arg2[%swap3A, %swap3A_2] : memref<128x128xf32, #tpu.memory_space<vmem>>, vector<128x32xf32>
    tpu.vector_store %arg2[%swap3A, %swap3A_2], %transpose3A {strides = array<i32>} : memref<128x128xf32, #tpu.memory_space<vmem>>, vector<128x32xf32>,
    %get3A_4 = arith.constant 0 : index
    %get3A_5 = arith.constant 128 : index
    %get3A_6 = vector.load %arg1[%get3A_4, %get3A_5] : memref<32x512xf32, #tpu.memory_space<vmem>>, vector<32x128xf32>
    %transpose3A_7 = tpu.transpose %get3A_6, [1, 0] : vector<32x128xf32> -> vector<128x32xf32>
    %swap3A_8 = arith.constant 0 : index
    %swap3A_9 = arith.constant 32 : index
    %swap3A_10 = vector.load %arg2[%swap3A_8, %swap3A_9] : memref<128x128xf32, #tpu.memory_space<vmem>>, vector<128x32xf32>
    tpu.vector_store %arg2[%swap3A_8, %swap3A_9], %transpose3A_7 {strides = array<i32>} : memref<128x128xf32, #tpu.memory_space<vmem>>, vector<128x32xf32>,
    %get3A_11 = arith.constant 0 : index
    %get3A_12 = arith.constant 256 : index
    %get3A_13 = vector.load %arg1[%get3A_11, %get3A_12] : memref<32x512xf32, #tpu.memory_space<vmem>>, vector<32x128xf32>
    %transpose3A_14 = tpu.transpose %get3A_13, [1, 0] : vector<32x128xf32> -> vector<128x32xf32>
    %swap3A_15 = arith.constant 0 : index
    %swap3A_16 = arith.constant 64 : index
    %swap3A_17 = vector.load %arg2[%swap3A_15, %swap3A_16] : memref<128x128xf32, #tpu.memory_space<vmem>>, vector<128x32xf32>
    tpu.vector_store %arg2[%swap3A_15, %swap3A_16], %transpose3A_14 {strides = array<i32>} : memref<128x128xf32, #tpu.memory_space<vmem>>, vector<128x32xf32>,
    %get3A_18 = arith.constant 0 : index
    %get3A_19 = arith.constant 384 : index
    %get3A_20 = vector.load %arg1[%get3A_18, %get3A_19] : memref<32x512xf32, #tpu.memory_space<vmem>>, vector<32x128xf32>
    %transpose3A_21 = tpu.transpose %get3A_20, [1, 0] : vector<32x128xf32> -> vector<128x32xf32>
    %swap3A_22 = arith.constant 0 : index
    %swap3A_23 = arith.constant 96 : index
    %swap3A_24 = vector.load %arg2[%swap3A_22, %swap3A_23] : memref<128x128xf32, #tpu.memory_space<vmem>>, vector<128x32xf32>
    tpu.vector_store %arg2[%swap3A_22, %swap3A_23], %transpose3A_21 {strides = array<i32>} : memref<128x128xf32, #tpu.memory_space<vmem>>, vector<128x32xf32>,
    return
  }
  func.func @transform_0(%arg0: i32) -> (i32, i32) {
    %c0_i32 = arith.constant 0 : i32
    %c0_i32_0 = arith.constant 0 : i32
    return %c0_i32, %arg0 : i32, i32
  }
  func.func @transform_1(%arg0: i32) -> (i32, i32) {
    %c0_i32 = arith.constant 0 : i32
    %c0_i32_0 = arith.constant 0 : i32
    return %arg0, %c0_i32 : i32, i32
  }
}

</mosaic_0001>

<sc_bundles>
// kernel: kernel.4.cloned.1.call-start
scs
__scs_entry_jumppad:
0x0: {  	(pc) =	sbr.rel $0x88, $3  }
0x1: {  	(tag) =	ssettag $0x0;
	lr =	simm.s32 $0x1  }
0x2: {  	[smem:$0x3F9F] =	sst lr;
	_ =	strace $0xD0000000  }
0x3: {  	_ = 	snop  }
0x4: {  	_ = 	snop  }
0x5: {  	_ = 	snop  }
0x6: {  	_ = 	snop  }
0x7: {  	_ = 	snop  }
__scs_overlays_trampoline_lowered:
0x8: {  	[smem:$0x3FAE] =	sst s0  }
0x9: {  	[smem:$0x3FAF] =	sst s1  }
0xa: {  	[smem:$0x3FB0] =	sst s2  }
0xb: {  	[smem:$0x3FB1] =	sst s3  }
0xc: {  	[smem:$0x3FB2] =	sst s4  }
0xd: {  	[smem:$0x3FB3] =	sst s5  }
0xe: {  	[smem:$0x3FB4] =	sst s6  }
0xf: {  	[smem:$0x3FB5] =	sst s7  }
0x10: {  	[smem:$0x3FB6] =	sst s8  }
0x11: {  	[smem:$0x3FB7] =	sst s9;
	s0 =	simm.s32 @!p0 $0x0  }
0x12: {  	s1 =	sld [smem:$0x3F9D];
	s0 =	simm.s32 @p0 $0x1  }
0x13: {  	[smem:$0x3FB8] =	sst s0;
	s0 =	simm.s32 @!p1 $0x0  }
0x14: {  	s2 =	sld [smem:$0x3F9C];
	s0 =	simm.s32 @p1 $0x1  }
0x15: {  	[smem:$0x3FB9] =	sst s0;
	s0 =	simm.s32 @!p2 $0x0  }
0x16: {  	s3 =	sld [smem:$0x3FDB];
	s0 =	simm.s32 @p2 $0x1  }
0x17: {  	s4 =	simm.s32 $0x1BF5;
	[smem:$0x3FBB] =	sst s0  }
0x18: {  	s0 =	sld [smem:$0x3F9E];
	_ =	swait.ge [sflag:s4], $0x0  }
0x19: {  	s7 =	sld [smem:$0x3F9F]  }
0x1a: {  	s8 =	sadd.s32 $0xFFFFE003, lr  }
0x1b: {  	s9 =	sadd.s32 $0xFFFFFEF7, lr;
	s5 =	simm.s32 $0xFFFFFFFF;
	p2 =	slt.u32 s8, $0xFFFFF086  }
0x1c: {  	p1 =	slt.u32 s9, $0xF7A;
	s5 =	simm.s32 @!p2 $0x0  }
0x1d: {  	s5 =	simm.s32 @p1 $0x1;
	p0 =	seq.s32 s7, s2  }
0x1e: {  	s7 =	smul.u32 @!p0 $0xF7A, s2;
	p2 =	seq.s32 @!p0 s5, $0x0  }
0x1f: {  	s9 =	smul.u32 $0xF7A, s1;
	s8 =	simm.s32 @!p0 $0x1BF5;
	p2 =	por !p2, p0  }
0x20: {  	[sflag:s8] =	ssyncset.s32 @!p0 $0xFFFFF086;
	s6 =	sadd.s32 @!p0 s3, s7;
	s7 =	simm.s32 @!p0 $0x108  }
0x21: {  	s3 =	sadd.s32 s3, s9;
	s6 =	sadd.s32 @!p0 $0x88, s6;
	s7 =	simm.s32 @p2 $0x1082  }
0x22: {  	[simem:s7], [sflag:s8] =	dma.local @!p0 [hbm:s6], $0xF7A  }
0x23: {  	s9 =	sor.u32 $0xD0000000, s2;
	s6 =	simm.s32 $0x108;
	_ =	swait.ge @!p0 [sflag:s8], $0x0  }
0x24: {  	s3 =	sadd.s32 $0x88, s3;
	s6 =	simm.s32 @!p1 $0x1082;
	[sflag:s4] =	ssyncset.s32 $0xFFFFF086  }
0x25: {  	[simem:s6], [sflag:s4] =	dma.local [hbm:s3], $0xF7A  }
0x26: {  	[smem:$0x3F9F] =	sst s1;
	(tag) =	ssettag s2;
	_ =	strace s9  }
0x27: {  	s1 =	sld [smem:$0x3FAF]  }
0x28: {  	s2 =	sld [smem:$0x3FB0]  }
0x29: {  	s4 =	sld [smem:$0x3FB2]  }
0x2a: {  	p0 =	seq.s32 s5, $0x0;
	s5 =	sld [smem:$0x3FB3]  }
0x2b: {  	s6 =	sld [smem:$0x3FB4]  }
0x2c: {  	s7 =	sld [smem:$0x3FB5]  }
0x2d: {  	s3 =	simm.s32 $0x108;
	s8 =	sld [smem:$0x3FB6]  }
0x2e: {  	s3 =	simm.s32 @!p0 $0x1082;
	s9 =	sld [smem:$0x3FB7]  }
0x2f: {  	lr =	sadd.s32 s0, s3;
	s0 =	sld [smem:$0x3FAE]  }
0x30: {  	s3 =	sld [smem:$0x3FB1]  }
0x31: {  	[smem:$0x3FBA] =	sst s10  }
0x32: {  	s10 =	sld [smem:$0x3FB8];
	_ =	sdelay $0x3  }
0x33: {  	p0 =	seq.s32 s10, $0x1;
	s10 =	sld [smem:$0x3FBA];
	_ =	sdelay $0x3  }
0x34: {  	[smem:$0x3FBA] =	sst s10  }
0x35: {  	s10 =	sld [smem:$0x3FB9];
	_ =	sdelay $0x3  }
0x36: {  	p1 =	seq.s32 s10, $0x1;
	s10 =	sld [smem:$0x3FBA];
	_ =	sdelay $0x3  }
0x37: {  	[smem:$0x3FBA] =	sst s10  }
0x38: {  	s10 =	sld [smem:$0x3FBB]  }
0x39: {  	_ = 	snop;
	(pc) =	sbr.ind lr, $3  }
0x3a: {  	_ = 	snop  }
0x3b: {  	_ = 	snop  }
0x3c: {  	p2 =	seq.s32 s10, $0x1;
	s10 =	sld [smem:$0x3FBA]  }
0x3d: {  	_ =	shalt  }
0x3e: {  	_ =	shalt  }
0x3f: {  	_ =	shalt  }
0x40: {  	_ =	shalt  }
0x41: {  	_ =	shalt  }
0x42: {  	_ =	shalt  }
0x43: {  	_ =	shalt  }
0x44: {  	_ =	shalt  }
0x45: {  	_ =	shalt  }
0x46: {  	_ =	shalt  }
0x47: {  	_ =	shalt  }
0x48: {  	_ =	shalt  }
0x49: {  	_ =	shalt  }
0x4a: {  	_ =	shalt  }
0x4b: {  	_ =	shalt  }
0x4c: {  	_ =	shalt  }
0x4d: {  	_ =	shalt  }
0x4e: {  	_ =	shalt  }
0x4f: {  	_ =	shalt  }
0x50: {  	_ =	shalt  }
0x51: {  	_ =	shalt  }
0x52: {  	_ =	shalt  }
0x53: {  	_ =	shalt  }
0x54: {  	_ =	shalt  }
0x55: {  	_ =	shalt  }
0x56: {  	_ =	shalt  }
0x57: {  	_ =	shalt  }
0x58: {  	_ =	shalt  }
0x59: {  	_ =	shalt  }
0x5a: {  	_ =	shalt  }
0x5b: {  	_ =	shalt  }
0x5c: {  	_ =	shalt  }
0x5d: {  	_ =	shalt  }
0x5e: {  	_ =	shalt  }
0x5f: {  	_ =	shalt  }
0x60: {  	_ =	shalt  }
0x61: {  	_ =	shalt  }
0x62: {  	_ =	shalt  }
0x63: {  	_ =	shalt  }
0x64: {  	_ =	shalt  }
0x65: {  	_ =	shalt  }
0x66: {  	_ =	shalt  }
0x67: {  	_ =	shalt  }
0x68: {  	_ =	shalt  }
0x69: {  	_ =	shalt  }
0x6a: {  	_ =	shalt  }
0x6b: {  	_ =	shalt  }
0x6c: {  	_ =	shalt  }
0x6d: {  	_ =	shalt  }
0x6e: {  	_ =	shalt  }
0x6f: {  	_ =	shalt  }
0x70: {  	_ =	shalt  }
0x71: {  	_ =	shalt  }
0x72: {  	_ =	shalt  }
0x73: {  	_ =	shalt  }
0x74: {  	_ =	shalt  }
0x75: {  	_ =	shalt  }
0x76: {  	_ =	shalt  }
0x77: {  	_ =	shalt  }
0x78: {  	_ =	shalt  }
0x79: {  	_ =	shalt  }
0x7a: {  	_ =	shalt  }
0x7b: {  	_ =	shalt  }
0x7c: {  	_ =	shalt  }
0x7d: {  	_ =	shalt  }
0x7e: {  	_ =	shalt  }
0x7f: {  	_ =	shalt  }
0x80: {  	_ =	shalt  }
0x81: {  	_ =	shalt  }
0x82: {  	_ =	shalt  }
0x83: {  	_ =	shalt  }
0x84: {  	_ =	shalt  }
0x85: {  	_ =	shalt  }
0x86: {  	_ =	shalt  }
0x87: {  	_ =	shalt  }
.Lfunc_end0:
.L_simem_size_0:
called_computation_lowered:
.L_overlay_start_0:
0x88: {  	s2 =	sld [smem:$0x3FD9]  }
0x89: {  	s3 =	sld [smem:$0x3FFE];
	_ =	sdelay $0x1  }
0x8a: {  	s1 =	srdreg.scid  }
0x8b: {  	s0 =	sand.u32 $0x1, s1  }
0x8c: {  	s17 =	sshll.u32 s0, $0xA;
	s2 =	sadd.s32 s3, s2  }
0x8d: {  	s2 =	sadd.s32 s2, s17  }
0x8e: {  	[smem:$0x3FC6] =	sst s2  }
0x8f: {  	_ = 	snop  }
0x90: {  	s2 =	sld [smem:$0x3FC9]  }
0x91: {  	s18 =	sld [smem:$0x3FD0];
	(tm) =	ssettm $0x1  }
0x92: {  	s4 =	sld [smem:$0x3FFB];
	_ =	sdelay $0x3  }
0x93: {  	_ =	strace s4  }
0x94: {  	s4 =	sld [smem:$0x3FFC];
	_ =	sdelay $0x3  }
0x95: {  	_ =	strace s4  }
0x96: {  	s4 =	sld [smem:$0x3FFD];
	_ =	sdelay $0x3  }
0x97: {  	_ =	strace s4  }
0x98: {  	_ =	strace $0x8FFFFFFF  }
0x99: {  	s19 =	sld [smem:$0x3FDB];
	_ =	sdelay $0x1  }
0x9a: {  	s5 =	simm.s32 $_scs_section_size  }
0x9b: {  	s6 =	simm.s32 $_size__tile_overlayer_lowered;
	s7 =	simm.s32 $_tile_overlayer_lowered  }
0x9c: {  	s22 =	simm.s32 $0x1BFF;
	s21 =	sshll.u32 s7, $0x1;
	s4 =	sadd.s32 s5, s19  }
0x9d: {  	s8 =	simm.s32 $0x0;
	s20 =	sshll.u32 s6, $0x1;
	s6 =	sadd.s32 s21, s4  }
0x9e: {  	[timem:s8], [sflag:s22] =	dma.local [hbm:s6], s20  }
0x9f: {  	_ =	swait.ge [sflag:s22], s20  }
0xa0: {  	s5 =	ssub.s32 $0x0, s20;
	[sflag:s22] =	ssyncset.done $0x0  }
0xa1: {  	[sflag:s22] =	ssyncadd.s32 s5;
	_ =	sdelay $0x1  }
0xa2: {  	s23 =	simm.s32 $0x1B8B  }
0xa3: {  	_ =	swait.ge [sflag:s23], $0x1  }
0xa4: {  	[sflag:s23] =	ssyncset.done $0x0  }
0xa5: {  	s25 =	simm.s32 $0x1B8E;
	s24 =	sld [smem:$0x3FFE];
	[sflag:s23] =	ssyncadd.s32 $0xFFFFFFFF  }
0xa6: {  	s26 =	simm.s32 $execute0_lowered;
	[smem:$0x3FD2] =	sst s25  }
0xa7: {  	s6 =	sshll.u32 s26, $0x1;
	_ =	strace $0x80000046;
	[dreg:$0x1] =	wrdreg $0xFFFFFFFF  }
0xa8: {  	s28 =	simm.s32 $_size_execute0_lowered;
	s4 =	sadd.s32 s4, s6;
	[dreg:$0x0] =	wrdreg $0x0  }
0xa9: {  	s6 =	sshll.u32 s28, $0x1;
	[dreg:$0x2] =	wrdreg s4  }
0xaa: {  	[dreg:$0x3] =	wrdreg s6  }
0xab: {  	[dreg:$0x4] =	wrdreg $0xC0  }
0xac: {  	_ =	task [dreg:s8], $0x5FFFF  }
0xad: {  	[dreg:$0x1] =	wrdreg $0xFFFFFFFF  }
0xae: {  	[dreg:$0x0] =	wrdreg $0x60  }
0xaf: {  	[dreg:$0x2] =	wrdreg s2  }
0xb0: {  	[dreg:$0x3] =	wrdreg s24  }
0xb1: {  	[dreg:$0x4] =	wrdreg s18  }
0xb2: {  	[dreg:$0x5] =	wrdreg $0x9  }
0xb3: {  	_ =	task.clear_ibuf [dreg:s8], $0x6FFFF;
	_ =	strace $0x90000046  }
0xb4: {  	s29 =	simm.s32 $0x9;
	_ =	strace $0x80000048  }
0xb5: {  	_ =	swait.ge [sflag:s29], $0x1  }
0xb6: {  	[sflag:s29] =	ssyncadd.s32 $0xFFFFFFFF  }
0xb7: {  	_ =	strace $0x90000048  }
0xb8: {  	_ =	sfence  }
0xb9: {  	s30 =	sld [smem:$0x0];
	_ =	sdelay $0x2  }
0xba: {  	s31 =	sshll.u32 s1, $0xD;
	s1 =	sshrl.u32 s1, $0x2  }
0xbb: {  	s3 =	sand.u32 $0x4000, s31;
	s1 =	sadd.s32 s1, s30  }
0xbc: {  	s0 =	sor.u32 s3, s0;
	s1 =	sshll.u32 s1, $0x11  }
0xbd: {  	s0 =	sor.u32 s1, s0  }
0xbe: {  	s0 =	sadd.s32 $0x8F2B, s0  }
0xbf: {  	[sflag:s0] =	ssyncadd.remote.s32 $0x1  }
0xc0: {  	_ =	sfence.sel $0xFFFF  }
0xc1: {  	[dreg:$0x0] =	wrdreg $0xFFFFFFFF;
	(pc) =	sbr.abs _section_cstart, $3  }
0xc2: {  	[dreg:$0x1] =	wrdreg $0xFFFFFFFF  }
0xc3: {  	_ =	task.clear_ibuf [dreg:s8], $0x2FFFF;
	_ =	strace $0x9FFFFFFF  }
0xc4: {  	(tm) =	ssettm $0x7FFFFFFF  }
0xc5: {  	_ =	shalt  }
tec
execute0_lowered:
.L_overlay_start_1:
0x0: {  	(tag) =	ssettag $0x1  }
0x1: {  	v0 =	vimm.s32 $0x1380;
	vm0 =	vcmask $0x300;
	v1 =	vimm.s32 $0x3380  }
0x2: {  	vm1 =	vcmask $0x704;
	v0 =	vsel vm0, $0x0, v0;
	v1 =	vsel vm0, $0x2000, v1  }
0x3: {  	vm15 =	vcmask $0xB08;
	v0 =	vsel vm1, $0x80, v0;
	v1 =	vsel vm1, $0x2080, v1  }
0x4: {  	vm4 =	vcmask $0xF0C;
	v0 =	vsel vm15, $0x100, v0;
	v1 =	vsel vm15, $0x2100, v1  }
0x5: {  	vm5 =	vcmask $0x1310;
	v0 =	vsel vm4, $0x180, v0;
	v1 =	vsel vm4, $0x2180, v1  }
0x6: {  	s0 =	rddreg [dreg:$0x0];
	vm6 =	vcmask $0x1714;
	v0 =	vsel vm5, $0x200, v0;
	v1 =	vsel vm5, $0x2200, v1  }
0x7: {  	s2 =	rddreg [dreg:$0x1];
	vm7 =	vcmask $0x1B18;
	v0 =	vsel vm6, $0x280, v0;
	v1 =	vsel vm6, $0x2280, v1  }
0x8: {  	s5 =	rddreg [dreg:$0x2];
	vm8 =	vcmask $0x1F1C;
	v0 =	vsel vm7, $0x300, v0;
	v1 =	vsel vm7, $0x2300, v1  }
0x9: {  	s1 =	simm.s32 $0x0;
	s3 =	srdreg.scid;
	s6 =	stileid.u32;
	vm9 =	vcmask $0x2320;
	v0 =	vsel vm8, $0x380, v0;
	v1 =	vsel vm8, $0x2380, v1  }
0xa: {  	vm10 =	vcmask $0x2724;
	s8 =	simm.s32 $0x80;
	s17 =	simm.s32 $0x1;
	s18 =	simm.s32 $0x10400;
	v0 =	vsel vm9, $0x1000, v0;
	v1 =	vsel vm9, $0x3000, v1  }
0xb: {  	vm11 =	vcmask $0x2B28;
	s19 =	simm.s32 $0x1000;
	s20 =	simm.s32 $0x20000;
	s21 =	simm.s32 $0x0;
	v0 =	vsel vm10, $0x1080, v0;
	v1 =	vsel vm10, $0x3080, v1  }
0xc: {  	vm12 =	vcmask $0x2F2C;
	[smem:$0x7FF] =	sst s1;
	s3 =	sand.u32 $0x1, s3;
	s6 =	sshll.u32 s6, $0xA;
	v0 =	vsel vm11, $0x1100, v0;
	v1 =	vsel vm11, $0x3100, v1  }
0xd: {  	vm13 =	vcmask $0x3330;
	s4 =	ssub.s32 $0x2, s3;
	s3 =	sshll.u32 s3, $0x9;
	_ =	strace $0x80000047;
	v0 =	vsel vm12, $0x1180, v0;
	v1 =	vsel vm12, $0x3180, v1  }
0xe: {  	vm14 =	vcmask $0x3734;
	s7 =	sshrl.u32 s4, $0x1;
	s6 =	sor.u32 s3, s6;
	s3 =	sadd.s32 $0x400, s2;
	v0 =	vsel vm13, $0x1200, v0;
	v1 =	vsel vm13, $0x3200, v1  }
0xf: {  	vm15 =	vcmask $0x3B38;
	s30 =	ssub.s32 s4, s7;
	s31 =	sshrl.u32 s6, $0x3;
	s5 =	sadd.s32 s5, s6;
	v0 =	vsel vm14, $0x1280, v0;
	v1 =	vsel vm14, $0x3280, v1  }
0x10: {  	s7 =	simm.s32 $0x2;
	s4 =	sadd.s32 s0, s31;
	s6 =	smax.u32 s30, $0x1;
	v0 =	vsel vm15, $0x1300, v0;
	v1 =	vsel vm15, $0x3300, v1  }
.LBB2_1:
0x11: {  	[tilespmem:s1], [sflag:$0x2] =	stream.linear.gather [hbm4b:s4+s1], $0x200, $0x38;
	[tilespmem:$0x14400] =	vst v63  }
0x12: {  	_ =	swait.ge [sflag:s7], $0x200  }
0x13: {  	[sflag:s7] =	ssyncset.done $0x0  }
0x14: {  	[sflag:s7] =	ssyncadd.s32 $0xFFFFFE00  }
0x15: {  	v2 =	vld [tilespmem:$0x0]  }
0x16: {  	v3 =	vld [tilespmem:$0x10]  }
0x17: {  	v4 =	vld [tilespmem:$0x20]  }
0x18: {  	v5 =	vld [tilespmem:$0x30]  }
0x19: {  	v7 =	vld [tilespmem:$0x40]  }
0x1a: {  	v9 =	vld [tilespmem:$0x50]  }
0x1b: {  	v10 =	vld [tilespmem:$0x60]  }
0x1c: {  	v18 =	vld [tilespmem:$0x70]  }
0x1d: {  	v12 =	vld [tilespmem:$0x80]  }
0x1e: {  	v13 =	vld [tilespmem:$0x90]  }
0x1f: {  	v23 =	vld [tilespmem:$0xA0]  }
0x20: {  	v28 =	vld [tilespmem:$0xD0]  }
0x21: {  	v34 =	vld [tilespmem:$0xF0];
	v6 =	vshra.s32 v2, $0x2  }
0x22: {  	v35 =	vld [tilespmem:$0x100];
	v2 =	vand.u32 $0x7F, v2;
	v8 =	vshra.s32 v3, $0x2;
	v16 =	vshra.s32 v4, $0x2  }
0x23: {  	v38 =	vld [tilespmem:$0x110];
	v3 =	vand.u32 $0x7F, v3;
	v4 =	vand.u32 $0x7F, v4;
	v17 =	vshra.s32 v5, $0x2  }
0x24: {  	v43 =	vld [tilespmem:$0x120];
	v5 =	vand.u32 $0x7F, v5;
	v11 =	vshra.s32 v7, $0x2;
	v20 =	vshra.s32 v9, $0x2  }
0x25: {  	v45 =	vld [tilespmem:$0x130];
	v7 =	vand.u32 $0x7F, v7;
	v9 =	vand.u32 $0x7F, v9;
	v22 =	vshra.s32 v10, $0x2  }
0x26: {  	v48 =	vld [tilespmem:$0x140];
	v10 =	vand.u32 $0x7F, v10;
	v14 =	vshra.s32 v18, $0x2;
	v25 =	vshra.s32 v12, $0x2  }
0x27: {  	v12 =	vand.u32 $0x7F, v12;
	v27 =	vshra.s32 v13, $0x2;
	v29 =	vand.u32 $0x7F, v13  }
0x28: {  	v30 =	vshra.s32 v23, $0x2;
	v37 =	vshra.s32 v28, $0x2;
	v41 =	vand.u32 $0x7F, v28  }
0x29: {  	v44 =	vshra.s32 v34, $0x2;
	v46 =	vand.u32 $0x7F, v34;
	v47 =	vshra.s32 v35, $0x2  }
0x2a: {  	v50 =	vshra.s32 v38, $0x2;
	v51 =	vand.u32 $0x7F, v38;
	v53 =	vshra.s32 v43, $0x2  }
0x2b: {  	v55 =	vand.u32 $0x7F, v43;
	v56 =	vshra.s32 v45, $0x2;
	v59 =	vshra.s32 v48, $0x2  }
0x2c: {  	v60 =	vand.u32 $0x7F, v45;
	v61 =	vand.u32 $0x7F, v48;
	v6 =	vand.u32 $0xFFFFFF80, v6  }
0x2d: {  	v62 =	vld [tilespmem:$0x180];
	v15 =	vand.u32 $0xFFFFFF80, v8;
	v8 =	vand.u32 $0xFFFFFF80, v16;
	v2 =	vor.u32 v2, v6  }
0x2e: {  	v52 =	vld [tilespmem:$0x150];
	v19 =	vand.u32 $0xFFFFFF80, v11;
	v11 =	vand.u32 $0xFFFFFF80, v20;
	v3 =	vor.u32 v3, v15;
	[tilespmem:$0x200] =	vst v2  }
0x2f: {  	v57 =	vld [tilespmem:$0x170];
	v24 =	vand.u32 $0xFFFFFF80, v14;
	v14 =	vand.u32 $0xFFFFFF80, v25;
	v4 =	vor.u32 v4, v8;
	[tilespmem:$0x210] =	vst v3  }
0x30: {  	v39 =	vand.u32 $0xFFFFFF80, v37;
	v49 =	vand.u32 $0xFFFFFF80, v47;
	v21 =	vor.u32 v9, v11;
	[tilespmem:$0x220] =	vst v4  }
0x31: {  	v54 =	vld [tilespmem:$0x160];
	v58 =	vand.u32 $0xFFFFFF80, v56;
	v6 =	vand.u32 $0xFFFFFF80, v17;
	v26 =	vor.u32 v12, v14;
	[tilespmem:$0x250] =	vst v21  }
0x32: {  	v25 =	vand.u32 $0x7F, v62;
	v9 =	vand.u32 $0xFFFFFF80, v22;
	v5 =	vor.u32 v5, v6;
	[tilespmem:$0x280] =	vst v26  }
0x33: {  	v8 =	vand.u32 $0x7F, v18;
	v18 =	vand.u32 $0x7F, v52;
	v6 =	vor.u32 v7, v19;
	[tilespmem:$0x230] =	vst v5  }
0x34: {  	v16 =	vld [tilespmem:$0xC0];
	v22 =	vand.u32 $0x7F, v57;
	v9 =	vor.u32 v10, v9;
	v8 =	vor.u32 v8, v24;
	[tilespmem:$0x240] =	vst v6  }
0x35: {  	v2 =	vand.u32 $0xFFFFFF80, v27;
	v3 =	vand.u32 $0xFFFFFF80, v30;
	v4 =	vand.u32 $0x7F, v23;
	[tilespmem:$0x260] =	vst v9  }
0x36: {  	v20 =	vld [tilespmem:$0x1A0];
	v10 =	vand.u32 $0xFFFFFF80, v50;
	v19 =	vshra.s32 v54, $0x2;
	v2 =	vor.u32 v29, v2;
	[tilespmem:$0x270] =	vst v8  }
0x37: {  	v15 =	vld [tilespmem:$0xB0];
	v21 =	vshra.s32 v57, $0x2;
	v3 =	vor.u32 v4, v3;
	v8 =	vand.u32 $0xFFFFFF80, v44;
	[tilespmem:$0x290] =	vst v2  }
0x38: {  	v17 =	vld [tilespmem:$0xE0];
	v6 =	vor.u32 v41, v39;
	v2 =	vor.u32 v46, v8;
	[tilespmem:$0x2A0] =	vst v3;
	v3 =	vand.u32 $0x7F, v35  }
0x39: {  	[tilespmem:$0x2D0] =	vst v6;
	v8 =	vand.u32 $0xFFFFFF80, v59;
	v5 =	vshra.s32 v16, $0x2;
	v36 =	vand.u32 $0x7F, v16  }
0x3a: {  	v3 =	vor.u32 v3, v49;
	[tilespmem:$0x2F0] =	vst v2;
	v2 =	vor.u32 v60, v58;
	v63 =	vor.u32 v61, v8  }
0x3b: {  	v16 =	vshra.s32 v52, $0x2;
	v28 =	vshra.s32 v20, $0x2;
	v29 =	vand.u32 $0x7F, v20;
	[tilespmem:$0x300] =	vst v3  }
0x3c: {  	v31 =	vshra.s32 v15, $0x2;
	v33 =	vand.u32 $0x7F, v15;
	v5 =	vand.u32 $0xFFFFFF80, v5;
	[tilespmem:$0x330] =	vst v2  }
0x3d: {  	v40 =	vshra.s32 v17, $0x2;
	[tilespmem:$0x340] =	vst v63;
	v32 =	vand.u32 $0xFFFFFF80, v31;
	v5 =	vor.u32 v36, v5  }
0x3e: {  	v42 =	vand.u32 $0x7F, v17;
	v17 =	vld [tilespmem:$0x190];
	v3 =	vand.u32 $0xFFFFFF80, v16;
	v4 =	vor.u32 v33, v32;
	[tilespmem:$0x2C0] =	vst v5  }
0x3f: {  	v23 =	vld [tilespmem:$0x1B0];
	v6 =	vand.u32 $0xFFFFFF80, v28;
	v5 =	vand.u32 $0xFFFFFF80, v53;
	[tilespmem:$0x2B0] =	vst v4;
	v4 =	vor.u32 v51, v10  }
0x40: {  	v24 =	vld [tilespmem:$0x1C0];
	v7 =	vand.u32 $0xFFFFFF80, v40;
	v3 =	vor.u32 v18, v3;
	v5 =	vor.u32 v55, v5;
	[tilespmem:$0x310] =	vst v4  }
0x41: {  	v27 =	vld [tilespmem:$0x1D0];
	v7 =	vor.u32 v42, v7;
	v4 =	vand.u32 $0xFFFFFF80, v19;
	[tilespmem:$0x320] =	vst v5;
	v5 =	vand.u32 $0x7F, v54  }
0x42: {  	[tilespmem:$0x2E0] =	vst v7;
	v7 =	vand.u32 $0xFFFFFF80, v21;
	v2 =	vor.u32 v5, v4;
	v5 =	vshra.s32 v62, $0x2  }
0x43: {  	[tilespmem:$0x350] =	vst v3;
	v4 =	vor.u32 v22, v7;
	v26 =	vshra.s32 v17, $0x2;
	v5 =	vand.u32 $0xFFFFFF80, v5  }
0x44: {  	v30 =	vld [tilespmem:$0x1E0];
	[tilespmem:$0x360] =	vst v2;
	v2 =	vand.u32 $0x7F, v17;
	v3 =	vor.u32 v25, v5;
	v5 =	vand.u32 $0xFFFFFF80, v26  }
0x45: {  	v31 =	vld [tilespmem:$0x1F0];
	v32 =	vshra.s32 v24, $0x2;
	[tilespmem:$0x370] =	vst v4;
	v2 =	vor.u32 v2, v5;
	v5 =	vshra.s32 v23, $0x2  }
0x46: {  	v33 =	vand.u32 $0x7F, v27;
	[tilespmem:$0x380] =	vst v3;
	v3 =	vand.u32 $0xFFFFFF80, v5;
	v5 =	vand.u32 $0x7F, v23  }
0x47: {  	v4 =	vor.u32 v29, v6;
	[tilespmem:$0x390] =	vst v2;
	v2 =	vor.u32 v5, v3;
	v5 =	vshra.s32 v27, $0x2  }
0x48: {  	[tilespmem:$0x3A0] =	vst v4;
	v4 =	vand.u32 $0x7F, v24;
	v3 =	vand.u32 $0xFFFFFF80, v32;
	v5 =	vand.u32 $0xFFFFFF80, v5  }
0x49: {  	[tilespmem:$0x3B0] =	vst v2;
	v2 =	vor.u32 v4, v3;
	v4 =	vshra.s32 v30, $0x2;
	v3 =	vor.u32 v33, v5  }
0x4a: {  	[tilespmem:$0x3C0] =	vst v2;
	v2 =	vand.u32 $0xFFFFFF80, v4;
	v4 =	vand.u32 $0x7F, v30;
	v5 =	vshra.s32 v31, $0x2  }
0x4b: {  	[tilespmem:$0x3D0] =	vst v3;
	v2 =	vor.u32 v4, v2;
	v3 =	vand.u32 $0xFFFFFF80, v5;
	v4 =	vand.u32 $0x7F, v31  }
0x4c: {  	[tilespmem:$0x3E0] =	vst v2;
	v2 =	vor.u32 v4, v3  }
0x4d: {  	s0 =	simm.s32 $0x200;
	s2 =	simm.s32 $0x400;
	[tilespmem:$0x3F0] =	vst v2  }
0x4e: {  	[tilespmem:s2], [sflag:$0x1] =	stream.indirect.gather [hbm4b:s3+s8], $0x80, s0, s8, $0xb8;
	[tilespmem:$0x14400] =	vst v63  }
0x4f: {  	s30 =	simm.s32 $0x280;
	s31 =	simm.s32 $0x4400  }
0x50: {  	[tilespmem:s31], [sflag:$0x1] =	stream.indirect.gather [hbm4b:s3+s8], $0x80, s30, s8, $0xb8;
	[tilespmem:$0x14400] =	vst v63  }
0x51: {  	s9 =	simm.s32 $0x300;
	s10 =	simm.s32 $0x8400  }
0x52: {  	[tilespmem:s10], [sflag:$0x1] =	stream.indirect.gather [hbm4b:s3+s8], $0x80, s9, s8, $0xb8;
	[tilespmem:$0x14400] =	vst v63  }
0x53: {  	s11 =	simm.s32 $0x380;
	s12 =	simm.s32 $0xC400  }
0x54: {  	[tilespmem:s12], [sflag:$0x1] =	stream.indirect.gather [hbm4b:s3+s8], $0x80, s11, s8, $0xb8;
	[tilespmem:$0x14400] =	vst v63  }
0x55: {  	_ =	swait.ge [sflag:s17], $0x4000  }
0x56: {  	[sflag:s17] =	ssyncset.done $0x0  }
0x57: {  	[sflag:s17] =	ssyncadd.s32 $0xFFFFC000  }
0x58: {  	_ =	swait.ge [sflag:s17], $0x4000  }
0x59: {  	[sflag:s17] =	ssyncset.done $0x0  }
0x5a: {  	[sflag:s17] =	ssyncadd.s32 $0xFFFFC000  }
0x5b: {  	_ =	swait.ge [sflag:s17], $0x4000  }
0x5c: {  	[sflag:s17] =	ssyncset.done $0x0  }
0x5d: {  	[sflag:s17] =	ssyncadd.s32 $0xFFFFC000  }
0x5e: {  	_ =	swait.ge [sflag:s17], $0x4000  }
0x5f: {  	[sflag:s17] =	ssyncset.done $0x0  }
0x60: {  	[sflag:s17] =	ssyncadd.s32 $0xFFFFC000  }
0x61: {  	v2 =	vld [tilespmem:s1+$0x0];
	_ =	sdelay $0x4  }
0x62: {  	v2 =	vshrl.u32 v2, $0x2  }
0x63: {  	(v2sf) =	vpush v2, $0x0;
	_ =	sdelay $0x6  }
0x64: {  	(v2sf) =	vpush v2, $0x1;
	_ =	sdelay $0x5  }
0x65: {  	s13 =	simm.s32 $0x0  }
0x66: {  	v3 =	vmov s13;
	(v2sf) =	vpush v2, $0x2  }
0x67: {  	v4 =	vshll.u32 v3, $0x3;
	s14 =	spop (v2sf)  }
0x68: {  	v3 =	vand.u32 $0x70, v3;
	v4 =	vand.u32 $0xC00, v4;
	s0 =	sand.u32 $0x60, s14  }
0x69: {  	v3 =	vor.u32 v3, v4;
	s0 =	sadd.s32 $0x0, s0  }
0x6a: {  	v5 =	vor.u32 v0, v3;
	v4 =	vld [tilespmem:s0+$0x400]  }
0x6b: {  	v3 =	vor.u32 v1, v3;
	v34 =	vld [tilespmem:s0+$0x410]  }
0x6c: {  	s15 =	simm.s32 $0x1  }
0x6d: {  	v35 =	vmov s15;
	(v2sf) =	vpush v2, $0x3  }
0x6e: {  	v36 =	vshll.u32 v35, $0x3;
	s16 =	spop (v2sf)  }
0x6f: {  	s0 =	sand.u32 $0x60, s16;
	[tilespmem:v5+s18+$0x0] =	vst.idx.msk $0xffff, v4;
	v4 =	vand.u32 $0x71, v35;
	v5 =	vand.u32 $0xC00, v36  }
0x70: {  	s0 =	sadd.s32 $0x0, s0;
	[tilespmem:v3+s18+$0x0] =	vst.idx.msk $0xffff, v34;
	v3 =	vor.u32 v4, v5  }
0x71: {  	v4 =	vld [tilespmem:s0+$0x480];
	v5 =	vor.u32 v0, v3  }
0x72: {  	v6 =	vld [tilespmem:s0+$0x490];
	v3 =	vor.u32 v1, v3  }
0x73: {  	s22 =	simm.s32 $0x2  }
0x74: {  	v37 =	vmov s22;
	(v2sf) =	vpush v2, $0x4  }
0x75: {  	v38 =	vshll.u32 v37, $0x3;
	s23 =	spop (v2sf)  }
0x76: {  	s0 =	sand.u32 $0x60, s23;
	[tilespmem:v5+s18+$0x0] =	vst.idx.msk $0xffff, v4;
	v4 =	vand.u32 $0x72, v37;
	v5 =	vand.u32 $0xC00, v38  }
0x77: {  	s0 =	sadd.s32 $0x0, s0;
	[tilespmem:v3+s18+$0x0] =	vst.idx.msk $0xffff, v6;
	v3 =	vor.u32 v4, v5  }
0x78: {  	v4 =	vld [tilespmem:s0+$0x500];
	v5 =	vor.u32 v0, v3  }
0x79: {  	v6 =	vld [tilespmem:s0+$0x510];
	v3 =	vor.u32 v1, v3  }
0x7a: {  	s24 =	simm.s32 $0x3  }
0x7b: {  	v39 =	vmov s24;
	(v2sf) =	vpush v2, $0x5  }
0x7c: {  	v40 =	vshll.u32 v39, $0x3;
	s25 =	spop (v2sf)  }
0x7d: {  	s0 =	sand.u32 $0x60, s25;
	[tilespmem:v5+s18+$0x0] =	vst.idx.msk $0xffff, v4;
	v4 =	vand.u32 $0x73, v39;
	v5 =	vand.u32 $0xC00, v40  }
0x7e: {  	s0 =	sadd.s32 $0x0, s0;
	[tilespmem:v3+s18+$0x0] =	vst.idx.msk $0xffff, v6;
	v3 =	vor.u32 v4, v5  }
0x7f: {  	v4 =	vld [tilespmem:s0+$0x580];
	v5 =	vor.u32 v0, v3  }
0x80: {  	v6 =	vld [tilespmem:s0+$0x590];
	v3 =	vor.u32 v1, v3  }
0x81: {  	s26 =	simm.s32 $0x4  }
0x82: {  	v41 =	vmov s26;
	(v2sf) =	vpush v2, $0x6  }
0x83: {  	v42 =	vshll.u32 v41, $0x3;
	s28 =	spop (v2sf)  }
0x84: {  	s0 =	sand.u32 $0x60, s28;
	[tilespmem:v5+s18+$0x0] =	vst.idx.msk $0xffff, v4;
	v4 =	vand.u32 $0x74, v41;
	v5 =	vand.u32 $0xC00, v42  }
0x85: {  	s0 =	sadd.s32 $0x0, s0;
	[tilespmem:v3+s18+$0x0] =	vst.idx.msk $0xffff, v6;
	v3 =	vor.u32 v4, v5  }
0x86: {  	v4 =	vld [tilespmem:s0+$0x600];
	v5 =	vor.u32 v0, v3  }
0x87: {  	v6 =	vld [tilespmem:s0+$0x610];
	v3 =	vor.u32 v1, v3  }
0x88: {  	s29 =	simm.s32 $0x5  }
0x89: {  	v43 =	vmov s29;
	(v2sf) =	vpush v2, $0x7  }
0x8a: {  	v44 =	vshll.u32 v43, $0x3;
	s30 =	spop (v2sf)  }
0x8b: {  	s0 =	sand.u32 $0x60, s30;
	[tilespmem:v5+s18+$0x0] =	vst.idx.msk $0xffff, v4;
	v4 =	vand.u32 $0x75, v43;
	v5 =	vand.u32 $0xC00, v44  }
0x8c: {  	s0 =	sadd.s32 $0x0, s0;
	[tilespmem:v3+s18+$0x0] =	vst.idx.msk $0xffff, v6;
	v3 =	vor.u32 v4, v5  }
0x8d: {  	v4 =	vld [tilespmem:s0+$0x680];
	v5 =	vor.u32 v0, v3  }
0x8e: {  	v6 =	vld [tilespmem:s0+$0x690];
	v3 =	vor.u32 v1, v3  }
0x8f: {  	s31 =	simm.s32 $0x6  }
0x90: {  	v45 =	vmov s31;
	(v2sf) =	vpush v2, $0x8  }
0x91: {  	v46 =	vshll.u32 v45, $0x3;
	s2 =	spop (v2sf)  }
0x92: {  	s0 =	sand.u32 $0x60, s2;
	[tilespmem:v5+s18+$0x0] =	vst.idx.msk $0xffff, v4;
	v4 =	vand.u32 $0x76, v45;
	v5 =	vand.u32 $0xC00, v46  }
0x93: {  	s0 =	sadd.s32 $0x0, s0;
	[tilespmem:v3+s18+$0x0] =	vst.idx.msk $0xffff, v6;
	v3 =	vor.u32 v4, v5  }
0x94: {  	v4 =	vld [tilespmem:s0+$0x700];
	v5 =	vor.u32 v0, v3  }
0x95: {  	v6 =	vld [tilespmem:s0+$0x710];
	v3 =	vor.u32 v1, v3  }
0x96: {  	s9 =	simm.s32 $0x7  }
0x97: {  	v47 =	vmov s9;
	(v2sf) =	vpush v2, $0x9  }
0x98: {  	v48 =	vshll.u32 v47, $0x3;
	s10 =	spop (v2sf)  }
0x99: {  	s0 =	sand.u32 $0x60, s10;
	[tilespmem:v5+s18+$0x0] =	vst.idx.msk $0xffff, v4;
	v4 =	vand.u32 $0x77, v47;
	v5 =	vand.u32 $0xC00, v48  }
0x9a: {  	s0 =	sadd.s32 $0x0, s0;
	[tilespmem:v3+s18+$0x0] =	vst.idx.msk $0xffff, v6;
	v3 =	vor.u32 v4, v5  }
0x9b: {  	v4 =	vld [tilespmem:s0+$0x780];
	v5 =	vor.u32 v0, v3  }
0x9c: {  	v6 =	vld [tilespmem:s0+$0x790];
	v3 =	vor.u32 v1, v3  }
0x9d: {  	s11 =	simm.s32 $0x8  }
0x9e: {  	v49 =	vmov s11;
	(v2sf) =	vpush v2, $0xA  }
0x9f: {  	v50 =	vshll.u32 v49, $0x3;
	s12 =	spop (v2sf)  }
0xa0: {  	s0 =	sand.u32 $0x60, s12;
	[tilespmem:v5+s18+$0x0] =	vst.idx.msk $0xffff, v4;
	v4 =	vand.u32 $0x78, v49;
	v5 =	vand.u32 $0xC00, v50  }
0xa1: {  	s0 =	sadd.s32 $0x0, s0;
	[tilespmem:v3+s18+$0x0] =	vst.idx.msk $0xffff, v6;
	v3 =	vor.u32 v4, v5  }
0xa2: {  	v4 =	vld [tilespmem:s0+$0x800];
	v5 =	vor.u32 v0, v3  }
0xa3: {  	v6 =	vld [tilespmem:s0+$0x810];
	v3 =	vor.u32 v1, v3  }
0xa4: {  	s13 =	simm.s32 $0x9  }
0xa5: {  	v51 =	vmov s13;
	(v2sf) =	vpush v2, $0xB  }
0xa6: {  	v52 =	vshll.u32 v51, $0x3;
	s14 =	spop (v2sf)  }
0xa7: {  	s0 =	sand.u32 $0x60, s14;
	[tilespmem:v5+s18+$0x0] =	vst.idx.msk $0xffff, v4;
	v4 =	vand.u32 $0x79, v51;
	v5 =	vand.u32 $0xC00, v52  }
0xa8: {  	s0 =	sadd.s32 $0x0, s0;
	[tilespmem:v3+s18+$0x0] =	vst.idx.msk $0xffff, v6;
	v3 =	vor.u32 v4, v5  }
0xa9: {  	v4 =	vld [tilespmem:s0+$0x880];
	v5 =	vor.u32 v0, v3  }
0xaa: {  	v6 =	vld [tilespmem:s0+$0x890];
	v3 =	vor.u32 v1, v3  }
0xab: {  	s15 =	simm.s32 $0xA  }
0xac: {  	v53 =	vmov s15;
	(v2sf) =	vpush v2, $0xC  }
0xad: {  	v54 =	vshll.u32 v53, $0x3;
	s16 =	spop (v2sf)  }
0xae: {  	s0 =	sand.u32 $0x60, s16;
	[tilespmem:v5+s18+$0x0] =	vst.idx.msk $0xffff, v4;
	v4 =	vand.u32 $0x7A, v53;
	v5 =	vand.u32 $0xC00, v54  }
0xaf: {  	s0 =	sadd.s32 $0x0, s0;
	[tilespmem:v3+s18+$0x0] =	vst.idx.msk $0xffff, v6;
	v3 =	vor.u32 v4, v5  }
0xb0: {  	v4 =	vld [tilespmem:s0+$0x900];
	v5 =	vor.u32 v0, v3  }
0xb1: {  	v6 =	vld [tilespmem:s0+$0x910];
	v3 =	vor.u32 v1, v3  }
0xb2: {  	s22 =	simm.s32 $0xB  }
0xb3: {  	v55 =	vmov s22;
	(v2sf) =	vpush v2, $0xD  }
0xb4: {  	v56 =	vshll.u32 v55, $0x3;
	s23 =	spop (v2sf)  }
0xb5: {  	s0 =	sand.u32 $0x60, s23;
	[tilespmem:v5+s18+$0x0] =	vst.idx.msk $0xffff, v4;
	v4 =	vand.u32 $0x7B, v55;
	v5 =	vand.u32 $0xC00, v56  }
0xb6: {  	s0 =	sadd.s32 $0x0, s0;
	[tilespmem:v3+s18+$0x0] =	vst.idx.msk $0xffff, v6;
	v3 =	vor.u32 v4, v5  }
0xb7: {  	v4 =	vld [tilespmem:s0+$0x980];
	v5 =	vor.u32 v0, v3  }
0xb8: {  	v6 =	vld [tilespmem:s0+$0x990];
	v3 =	vor.u32 v1, v3  }
0xb9: {  	s24 =	simm.s32 $0xC  }
0xba: {  	v57 =	vmov s24;
	(v2sf) =	vpush v2, $0xE  }
0xbb: {  	v58 =	vshll.u32 v57, $0x3;
	s25 =	spop (v2sf)  }
0xbc: {  	s0 =	sand.u32 $0x60, s25;
	[tilespmem:v5+s18+$0x0] =	vst.idx.msk $0xffff, v4;
	v4 =	vand.u32 $0x7C, v57;
	v5 =	vand.u32 $0xC00, v58  }
0xbd: {  	s0 =	sadd.s32 $0x0, s0;
	[tilespmem:v3+s18+$0x0] =	vst.idx.msk $0xffff, v6;
	v3 =	vor.u32 v4, v5  }
0xbe: {  	v4 =	vld [tilespmem:s0+$0xA00];
	v5 =	vor.u32 v0, v3  }
0xbf: {  	v6 =	vld [tilespmem:s0+$0xA10];
	v3 =	vor.u32 v1, v3  }
0xc0: {  	s26 =	simm.s32 $0xD  }
0xc1: {  	(v2sf) =	vpush v2, $0xF;
	v2 =	vmov s26  }
0xc2: {  	s28 =	spop (v2sf);
	v59 =	vshll.u32 v2, $0x3  }
0xc3: {  	v2 =	vand.u32 $0x7D, v2;
	s0 =	sand.u32 $0x60, s28;
	[tilespmem:v5+s18+$0x0] =	vst.idx.msk $0xffff, v4;
	v4 =	vand.u32 $0xC00, v59  }
0xc4: {  	s0 =	sadd.s32 $0x0, s0;
	[tilespmem:v3+s18+$0x0] =	vst.idx.msk $0xffff, v6;
	v2 =	vor.u32 v2, v4  }
0xc5: {  	v3 =	vld [tilespmem:s0+$0xA80];
	v4 =	vor.u32 v0, v2  }
0xc6: {  	v5 =	vld [tilespmem:s0+$0xA90];
	v2 =	vor.u32 v1, v2  }
0xc7: {  	s29 =	simm.s32 $0xE  }
0xc8: {  	v60 =	vmov s29  }
0xc9: {  	v61 =	vshll.u32 v60, $0x3;
	s30 =	spop (v2sf)  }
0xca: {  	s0 =	sand.u32 $0x60, s30;
	[tilespmem:v4+s18+$0x0] =	vst.idx.msk $0xffff, v3;
	v3 =	vand.u32 $0x7E, v60;
	v4 =	vand.u32 $0xC00, v61  }
0xcb: {  	s0 =	sadd.s32 $0x0, s0;
	[tilespmem:v2+s18+$0x0] =	vst.idx.msk $0xffff, v5;
	v2 =	vor.u32 v3, v4  }
0xcc: {  	v3 =	vld [tilespmem:s0+$0xB00];
	v4 =	vor.u32 v0, v2  }
0xcd: {  	v5 =	vld [tilespmem:s0+$0xB10];
	v2 =	vor.u32 v1, v2  }
0xce: {  	s22 =	simm.s32 $0xF  }
0xcf: {  	v62 =	vmov s22  }
0xd0: {  	v63 =	vshll.u32 v62, $0x3;
	s31 =	spop (v2sf)  }
0xd1: {  	s0 =	sand.u32 $0x60, s31;
	[tilespmem:v4+s18+$0x0] =	vst.idx.msk $0xffff, v3;
	v3 =	vand.u32 $0x7F, v62;
	v4 =	vand.u32 $0xC00, v63  }
0xd2: {  	s0 =	sadd.s32 $0x0, s0;
	[tilespmem:v2+s18+$0x0] =	vst.idx.msk $0xffff, v5;
	v3 =	vor.u32 v3, v4  }
0xd3: {  	v4 =	vld [tilespmem:s0+$0xB80];
	v5 =	vor.u32 v0, v3  }
0xd4: {  	v2 =	vld [tilespmem:s0+$0xB90];
	v3 =	vor.u32 v1, v3;
	_ =	sdelay $0x3  }
0xd5: {  	s24 =	simm.s32 $0x0;
	s23 =	simm.s32 $0x2000;
	[tilespmem:v5+s18+$0x0] =	vst.idx.msk $0xffff, v4  }
.LBB2_2:
0xd6: {  	p0 =	sne.s32 s23, $0x3E000;
	[tilespmem:v3+s18+$0x0] =	vst.idx.msk $0xffff, v2;
	s22 =	sadd.s32 $0x10, s22;
	s24 =	sadd.s32 $0x10, s24  }
0xd7: {  	s0 =	smov.u32 s23;
	s23 =	sadd.s32 $0x2000, s23;
	v2 =	vld [tilespmem:s24+$0x0];
	_ =	sdelay $0x4  }
0xd8: {  	v2 =	vshrl.u32 v2, $0x2  }
0xd9: {  	(v2sf) =	vpush v2, $0x0  }
0xda: {  	(v2sf) =	vpush v2, $0x1  }
0xdb: {  	(v2sf) =	vpush v2, $0x2  }
0xdc: {  	(v2sf) =	vpush v2, $0x3  }
0xdd: {  	(v2sf) =	vpush v2, $0x4  }
0xde: {  	(v2sf) =	vpush v2, $0x5  }
0xdf: {  	(v2sf) =	vpush v2, $0x6  }
0xe0: {  	(v2sf) =	vpush v2, $0x7  }
0xe1: {  	(v2sf) =	vpush v2, $0x8  }
0xe2: {  	(v2sf) =	vpush v2, $0x9  }
0xe3: {  	(v2sf) =	vpush v2, $0xA  }
0xe4: {  	(v2sf) =	vpush v2, $0xB  }
0xe5: {  	(v2sf) =	vpush v2, $0xC  }
0xe6: {  	s2 =	sadd.s32 $0xFFFFFFF1, s22;
	(v2sf) =	vpush v2, $0xD  }
0xe7: {  	v3 =	vmov s2;
	(v2sf) =	vpush v2, $0xE  }
0xe8: {  	v4 =	vshll.u32 v3, $0x3;
	s2 =	spop (v2sf);
	(v2sf) =	vpush v2, $0xF  }
0xe9: {  	s25 =	sshra.s32 s0, $0x2;
	v2 =	vand.u32 $0x70, v3;
	v3 =	vand.u32 $0xC00, v4;
	s2 =	sand.u32 $0x60, s2;
	s0 =	spop (v2sf)  }
0xea: {  	v2 =	vor.u32 v2, v3;
	s2 =	sadd.s32 s25, s2;
	s0 =	sand.u32 $0x60, s0;
	s9 =	spop (v2sf)  }
0xeb: {  	v4 =	vor.u32 v0, v2;
	v3 =	vld [tilespmem:s2+$0x400];
	s26 =	sand.u32 $0x60, s9;
	s9 =	spop (v2sf)  }
0xec: {  	v2 =	vor.u32 v1, v2;
	v5 =	vld [tilespmem:s2+$0x410];
	s14 =	sand.u32 $0x60, s9;
	s2 =	spop (v2sf)  }
0xed: {  	s9 =	sadd.s32 $0xFFFFFFF2, s22;
	s13 =	sand.u32 $0x60, s2;
	s2 =	spop (v2sf)  }
0xee: {  	v6 =	vmov s9;
	s12 =	sand.u32 $0x60, s2;
	s2 =	spop (v2sf)  }
0xef: {  	v7 =	vshll.u32 v6, $0x3;
	s11 =	sand.u32 $0x60, s2;
	s2 =	spop (v2sf)  }
0xf0: {  	[tilespmem:v4+s18+$0x0] =	vst.idx.msk $0xffff, v3;
	v3 =	vand.u32 $0x71, v6;
	v4 =	vand.u32 $0xC00, v7;
	s10 =	sand.u32 $0x60, s2;
	s2 =	spop (v2sf)  }
0xf1: {  	s0 =	sadd.s32 s25, s0;
	[tilespmem:v2+s18+$0x0] =	vst.idx.msk $0xffff, v5;
	v2 =	vor.u32 v3, v4;
	s9 =	sand.u32 $0x60, s2;
	s2 =	spop (v2sf)  }
0xf2: {  	v3 =	vld [tilespmem:s0+$0x480];
	v4 =	vor.u32 v0, v2;
	s2 =	sand.u32 $0x60, s2;
	s28 =	spop (v2sf)  }
0xf3: {  	v2 =	vor.u32 v1, v2;
	v5 =	vld [tilespmem:s0+$0x490];
	s0 =	sand.u32 $0x60, s28;
	s28 =	spop (v2sf)  }
0xf4: {  	s29 =	sadd.s32 $0xFFFFFFF3, s22;
	s31 =	sand.u32 $0x60, s28;
	s28 =	spop (v2sf)  }
0xf5: {  	v6 =	vmov s29;
	s30 =	sand.u32 $0x60, s28;
	s28 =	spop (v2sf)  }
0xf6: {  	v7 =	vshll.u32 v6, $0x3;
	s29 =	sand.u32 $0x60, s28;
	s28 =	spop (v2sf)  }
0xf7: {  	[tilespmem:v4+s18+$0x0] =	vst.idx.msk $0xffff, v3;
	v3 =	vand.u32 $0x72, v6;
	v4 =	vand.u32 $0xC00, v7;
	s28 =	sand.u32 $0x60, s28;
	s15 =	spop (v2sf)  }
0xf8: {  	s16 =	sadd.s32 s25, s26;
	[tilespmem:v2+s18+$0x0] =	vst.idx.msk $0xffff, v5;
	v2 =	vor.u32 v3, v4;
	s26 =	sand.u32 $0x60, s15  }
0xf9: {  	v3 =	vld [tilespmem:s16+$0x500];
	v4 =	vor.u32 v0, v2  }
0xfa: {  	v2 =	vor.u32 v1, v2;
	v5 =	vld [tilespmem:s16+$0x510]  }
0xfb: {  	s15 =	sadd.s32 $0xFFFFFFF4, s22  }
0xfc: {  	v6 =	vmov s15  }
0xfd: {  	v7 =	vshll.u32 v6, $0x3  }
0xfe: {  	[tilespmem:v4+s18+$0x0] =	vst.idx.msk $0xffff, v3;
	v3 =	vand.u32 $0x73, v6;
	v4 =	vand.u32 $0xC00, v7  }
0xff: {  	s14 =	sadd.s32 s25, s14;
	[tilespmem:v2+s18+$0x0] =	vst.idx.msk $0xffff, v5;
	v2 =	vor.u32 v3, v4  }
0x100: {  	v3 =	vld [tilespmem:s14+$0x580];
	v4 =	vor.u32 v0, v2  }
0x101: {  	v2 =	vor.u32 v1, v2;
	v5 =	vld [tilespmem:s14+$0x590]  }
0x102: {  	s14 =	sadd.s32 $0xFFFFFFF5, s22  }
0x103: {  	v6 =	vmov s14  }
0x104: {  	v7 =	vshll.u32 v6, $0x3  }
0x105: {  	[tilespmem:v4+s18+$0x0] =	vst.idx.msk $0xffff, v3;
	v3 =	vand.u32 $0x74, v6;
	v4 =	vand.u32 $0xC00, v7  }
0x106: {  	s13 =	sadd.s32 s25, s13;
	[tilespmem:v2+s18+$0x0] =	vst.idx.msk $0xffff, v5;
	v2 =	vor.u32 v3, v4  }
0x107: {  	v3 =	vld [tilespmem:s13+$0x600];
	v4 =	vor.u32 v0, v2  }
0x108: {  	v2 =	vor.u32 v1, v2;
	v5 =	vld [tilespmem:s13+$0x610]  }
0x109: {  	s13 =	sadd.s32 $0xFFFFFFF6, s22  }
0x10a: {  	v6 =	vmov s13  }
0x10b: {  	v7 =	vshll.u32 v6, $0x3  }
0x10c: {  	[tilespmem:v4+s18+$0x0] =	vst.idx.msk $0xffff, v3;
	v3 =	vand.u32 $0x75, v6;
	v4 =	vand.u32 $0xC00, v7  }
0x10d: {  	s12 =	sadd.s32 s25, s12;
	[tilespmem:v2+s18+$0x0] =	vst.idx.msk $0xffff, v5;
	v2 =	vor.u32 v3, v4  }
0x10e: {  	v3 =	vld [tilespmem:s12+$0x680];
	v4 =	vor.u32 v0, v2  }
0x10f: {  	v2 =	vor.u32 v1, v2;
	v5 =	vld [tilespmem:s12+$0x690]  }
0x110: {  	s12 =	sadd.s32 $0xFFFFFFF7, s22  }
0x111: {  	v6 =	vmov s12  }
0x112: {  	v7 =	vshll.u32 v6, $0x3  }
0x113: {  	[tilespmem:v4+s18+$0x0] =	vst.idx.msk $0xffff, v3;
	v3 =	vand.u32 $0x76, v6;
	v4 =	vand.u32 $0xC00, v7  }
0x114: {  	s11 =	sadd.s32 s25, s11;
	[tilespmem:v2+s18+$0x0] =	vst.idx.msk $0xffff, v5;
	v2 =	vor.u32 v3, v4  }
0x115: {  	v3 =	vld [tilespmem:s11+$0x700];
	v4 =	vor.u32 v0, v2  }
0x116: {  	v2 =	vor.u32 v1, v2;
	v5 =	vld [tilespmem:s11+$0x710]  }
0x117: {  	s11 =	sadd.s32 $0xFFFFFFF8, s22  }
0x118: {  	v6 =	vmov s11  }
0x119: {  	v7 =	vshll.u32 v6, $0x3  }
0x11a: {  	[tilespmem:v4+s18+$0x0] =	vst.idx.msk $0xffff, v3;
	v3 =	vand.u32 $0x77, v6;
	v4 =	vand.u32 $0xC00, v7  }
0x11b: {  	s10 =	sadd.s32 s25, s10;
	[tilespmem:v2+s18+$0x0] =	vst.idx.msk $0xffff, v5;
	v2 =	vor.u32 v3, v4  }
0x11c: {  	v3 =	vld [tilespmem:s10+$0x780];
	v4 =	vor.u32 v0, v2  }
0x11d: {  	v2 =	vor.u32 v1, v2;
	v5 =	vld [tilespmem:s10+$0x790]  }
0x11e: {  	s10 =	sadd.s32 $0xFFFFFFF9, s22  }
0x11f: {  	v6 =	vmov s10  }
0x120: {  	v7 =	vshll.u32 v6, $0x3  }
0x121: {  	[tilespmem:v4+s18+$0x0] =	vst.idx.msk $0xffff, v3;
	v3 =	vand.u32 $0x78, v6;
	v4 =	vand.u32 $0xC00, v7  }
0x122: {  	s9 =	sadd.s32 s25, s9;
	[tilespmem:v2+s18+$0x0] =	vst.idx.msk $0xffff, v5;
	v2 =	vor.u32 v3, v4  }
0x123: {  	v3 =	vld [tilespmem:s9+$0x800];
	v4 =	vor.u32 v0, v2  }
0x124: {  	v2 =	vor.u32 v1, v2;
	v5 =	vld [tilespmem:s9+$0x810]  }
0x125: {  	s9 =	sadd.s32 $0xFFFFFFFA, s22  }
0x126: {  	v6 =	vmov s9  }
0x127: {  	v7 =	vshll.u32 v6, $0x3  }
0x128: {  	[tilespmem:v4+s18+$0x0] =	vst.idx.msk $0xffff, v3;
	v3 =	vand.u32 $0x79, v6;
	v4 =	vand.u32 $0xC00, v7  }
0x129: {  	s2 =	sadd.s32 s25, s2;
	[tilespmem:v2+s18+$0x0] =	vst.idx.msk $0xffff, v5;
	v2 =	vor.u32 v3, v4  }
0x12a: {  	v3 =	vld [tilespmem:s2+$0x880];
	v4 =	vor.u32 v0, v2  }
0x12b: {  	v2 =	vor.u32 v1, v2;
	v5 =	vld [tilespmem:s2+$0x890]  }
0x12c: {  	s2 =	sadd.s32 $0xFFFFFFFB, s22  }
0x12d: {  	v6 =	vmov s2  }
0x12e: {  	v7 =	vshll.u32 v6, $0x3  }
0x12f: {  	[tilespmem:v4+s18+$0x0] =	vst.idx.msk $0xffff, v3;
	v3 =	vand.u32 $0x7A, v6;
	v4 =	vand.u32 $0xC00, v7  }
0x130: {  	s0 =	sadd.s32 s25, s0;
	[tilespmem:v2+s18+$0x0] =	vst.idx.msk $0xffff, v5;
	v2 =	vor.u32 v3, v4  }
0x131: {  	v3 =	vld [tilespmem:s0+$0x900];
	v4 =	vor.u32 v0, v2  }
0x132: {  	v2 =	vor.u32 v1, v2;
	v5 =	vld [tilespmem:s0+$0x910]  }
0x133: {  	s0 =	sadd.s32 $0xFFFFFFFC, s22  }
0x134: {  	v6 =	vmov s0  }
0x135: {  	v7 =	vshll.u32 v6, $0x3  }
0x136: {  	[tilespmem:v4+s18+$0x0] =	vst.idx.msk $0xffff, v3;
	v3 =	vand.u32 $0x7B, v6;
	v4 =	vand.u32 $0xC00, v7  }
0x137: {  	s0 =	sadd.s32 s25, s31;
	[tilespmem:v2+s18+$0x0] =	vst.idx.msk $0xffff, v5;
	v2 =	vor.u32 v3, v4  }
0x138: {  	v3 =	vld [tilespmem:s0+$0x980];
	v4 =	vor.u32 v0, v2  }
0x139: {  	v2 =	vor.u32 v1, v2;
	v5 =	vld [tilespmem:s0+$0x990]  }
0x13a: {  	s0 =	sadd.s32 $0xFFFFFFFD, s22  }
0x13b: {  	v6 =	vmov s0  }
0x13c: {  	v7 =	vshll.u32 v6, $0x3  }
0x13d: {  	[tilespmem:v4+s18+$0x0] =	vst.idx.msk $0xffff, v3;
	v3 =	vand.u32 $0x7C, v6;
	v4 =	vand.u32 $0xC00, v7  }
0x13e: {  	s0 =	sadd.s32 s25, s30;
	[tilespmem:v2+s18+$0x0] =	vst.idx.msk $0xffff, v5;
	v2 =	vor.u32 v3, v4  }
0x13f: {  	v3 =	vld [tilespmem:s0+$0xA00];
	v4 =	vor.u32 v0, v2  }
0x140: {  	v2 =	vor.u32 v1, v2;
	v5 =	vld [tilespmem:s0+$0xA10]  }
0x141: {  	s0 =	sadd.s32 $0xFFFFFFFE, s22  }
0x142: {  	v6 =	vmov s0  }
0x143: {  	v7 =	vshll.u32 v6, $0x3  }
0x144: {  	[tilespmem:v4+s18+$0x0] =	vst.idx.msk $0xffff, v3;
	v3 =	vand.u32 $0x7D, v6;
	v4 =	vand.u32 $0xC00, v7  }
0x145: {  	s0 =	sadd.s32 s25, s29;
	[tilespmem:v2+s18+$0x0] =	vst.idx.msk $0xffff, v5;
	v2 =	vor.u32 v3, v4  }
0x146: {  	v3 =	vld [tilespmem:s0+$0xA80];
	v4 =	vor.u32 v0, v2  }
0x147: {  	v2 =	vor.u32 v1, v2;
	v5 =	vld [tilespmem:s0+$0xA90]  }
0x148: {  	s0 =	sadd.s32 $0xFFFFFFFF, s22  }
0x149: {  	v6 =	vmov s0  }
0x14a: {  	v7 =	vshll.u32 v6, $0x3  }
0x14b: {  	[tilespmem:v4+s18+$0x0] =	vst.idx.msk $0xffff, v3;
	v3 =	vand.u32 $0x7E, v6;
	v4 =	vand.u32 $0xC00, v7  }
0x14c: {  	s0 =	sadd.s32 s25, s28;
	[tilespmem:v2+s18+$0x0] =	vst.idx.msk $0xffff, v5;
	v2 =	vor.u32 v3, v4  }
0x14d: {  	v3 =	vld [tilespmem:s0+$0xB00];
	v4 =	vor.u32 v0, v2  }
0x14e: {  	v2 =	vor.u32 v1, v2;
	v5 =	vld [tilespmem:s0+$0xB10];
	_ =	sdelay $0x1  }
0x14f: {  	v6 =	vmov s22  }
0x150: {  	v7 =	vshll.u32 v6, $0x3  }
0x151: {  	[tilespmem:v4+s18+$0x0] =	vst.idx.msk $0xffff, v3;
	v3 =	vand.u32 $0x7F, v6;
	v4 =	vand.u32 $0xC00, v7  }
0x152: {  	s0 =	sadd.s32 s25, s26;
	[tilespmem:v2+s18+$0x0] =	vst.idx.msk $0xffff, v5;
	v3 =	vor.u32 v3, v4  }
0x153: {  	v4 =	vld [tilespmem:s0+$0xB80];
	v5 =	vor.u32 v0, v3  }
.Ltmp0:
0x154: {  	v3 =	vor.u32 v1, v3;
	v2 =	vld [tilespmem:s0+$0xB90];
	(pc) =	sbr.rel @p0 .LBB2_2-.Ltmp0, $2  }
0x155: {  	_ =	sdelay $0x2  }
0x156: {  	[tilespmem:v5+s18+$0x0] =	vst.idx.msk $0xffff, v4  }
0x157: {  	_ =	sdelay $0x1  }
0x158: {  	s21 =	sadd.s32 $0x1, s21  }
0x159: {  	p0 =	sne.s32 s21, s6  }
.Ltmp1:
0x15a: {  	[tilespmem:v3+s18+$0x0] =	vst.idx.msk $0xffff, v2;
	(pc) =	sbr.rel @p0 .LBB2_1-.Ltmp1, $4  }
0x15b: {  	[hbm4b:s5+s19] =	stream.strided.scatter [tilespmem:s18], [sflag:$0x2], $0x4000, s20, s19, $0x38;
	[tilespmem:$0x14400] =	vst v63  }
0x15c: {  	_ =	swait.ge [sflag:s7], $0x4000  }
0x15d: {  	[sflag:s7] =	ssyncset.done $0x0  }
0x15e: {  	[sflag:s7] =	ssyncadd.s32 $0xFFFFC000  }
0x15f: {  	_ =	sfence.sel $0x180000  }
0x160: {  	[bflag:$0x0] =	sbarrier.arrive $0xFFFF  }
0x161: {  	_ =	strace $0x90000047  }
0x162: {  	s0 =	stileid.u32;
	[bflag:$0x2] =	sbarrier.arrive $0xFFFF  }
0x163: {  	p0 =	sne.s32 s0, $0x0;
	s0 =	rddreg [dreg:$0x3]  }
0x164: {  	s0 =	sadd.s32 @!p0 $0x100000, s0  }
0x165: {  	[sflag:s0] =	ssyncadd.tile.s32 @!p0 $0x1;
	_ =	shalt  }
.Lfunc_end2:
_tile_overlayer_lowered:
.L_overlay_start_2:
0x166: {  	(tag) =	ssettag $0x2  }
0x167: {  	s0 =	rddreg [dreg:$0x0];
	s2 =	stileid.u32  }
0x168: {  	s1 =	rddreg [dreg:$0x1];
	p0 =	sne.s32 s2, $0x0  }
0x169: {  	s3 =	rddreg [dreg:$0x2];
	[bflag:$0x3] =	sbarrier.arrive $0xFFFF;
	s2 =	simm.s32 @!p0 $0x1C02  }
0x16a: {  	[timem:s3], [sflag:s2] =	dma.local @!p0 [hbm:s0], s1  }
0x16b: {  	s0 =	simm.s32 @!p0 $0x2  }
0x16c: {  	_ =	swait.ge @!p0 [sflag:s0], s1  }
0x16d: {  	s1 =	ssub.s32 @!p0 $0x0, s1;
	[sflag:s0] =	ssyncset.done @!p0 $0x0  }
0x16e: {  	[sflag:s0] =	ssyncadd.s32 @!p0 s1  }
0x16f: {  	[bflag:$0x3] =	sbarrier.arrive $0xFFFF  }
0x170: {  	_ =	shalt  }

</sc_bundles>
